<compile_context>
chip_gen: v7x
topology: tpu7x:2x2x1
jax: 0.10.2.dev20260603
libtpu: 0.0.44.dev20260713+nightly
codegen_flags: <defaults>
</compile_context>

<pallas_src>
import functools

import jax
import jax.numpy as jnp
from jax import lax
from jax.experimental import pallas as pl
from jax.experimental.pallas import tpu as pltpu
from jax.experimental.pallas import tpu_sc as plsc

NB = 4
C = 128
D = 2
H = 200
W = 176
NV = 60000
NPOS = NB * D * H * W

NT = 32
RNG = NPOS // NT
SENT = 1 << 30
CH = 6000
NCH = NV // CH
RB = 128
NBUF = 4
LROWS = RNG // RB + 2
PADR = NT * 128
HB = 8


def _sc_body(idx_hbm, vf_hbm, dense_hbm, valid_hbm,
             idxbuf, inv_v, vbuf, plist, ilist, rowbuf,
             gsem, ssem, csem):
    cid = lax.axis_index("c")
    sid = lax.axis_index("s")
    wid = sid * 2 + cid
    base = wid * RNG
    iota = lax.broadcasted_iota(jnp.int32, (16,), 0)

    sent_v = jnp.full((16,), SENT, jnp.int32)

    def init_b(j, _):
        for u in range(5):
            inv_v[pl.ds((j * 5 + u) * 16, 16)] = sent_v
        return 0

    with jax.named_scope("p1_init"):
        lax.fori_loop(0, RNG // 80, init_b, 0)

    rng_u = jnp.uint32(RNG)

    def _issue_chunk(ci):
        pltpu.async_copy(idx_hbm.at[pl.ds(ci * CH, CH)],
                         idxbuf.at[pl.ds(lax.rem(ci, 2) * CH, CH)], csem)

    def chunk_b(ci, acc):
        @pl.when(ci + 1 < NCH)
        def _prefetch():
            _issue_chunk(ci + 1)

        pltpu.make_async_copy(idx_hbm.at[pl.ds(0, CH)],
                              idxbuf.at[pl.ds(0, CH)], csem).wait()
        boff = lax.rem(ci, 2) * CH

        def win_b(j, acc):
            for u in range(5):
                jj = j * 5 + u
                v = idxbuf[pl.ds(boff + jj * 16, 16)]
                li = v - base
                m = plsc.bitcast(li, jnp.uint32) < rng_u
                ids = ci * CH + jj * 16 + iota
                plsc.store_scatter(inv_v, [li], ids, mask=m)
                g = plsc.load_gather(inv_v, [li], mask=m)
                acc = acc | (m & (g < ids))
            return acc

        return lax.fori_loop(0, CH // 80, win_b, acc)

    with jax.named_scope("p2_scan"):
        _issue_chunk(0)
        acc = lax.fori_loop(0, NCH, chunk_b, jnp.zeros((16,), jnp.bool_))
    dirty = jnp.max(plsc.all_reduce_population_count(acc)) > 0

    @pl.when(dirty)
    def _fixup():
        def fchunk_b(ci, _):
            pltpu.sync_copy(idx_hbm.at[pl.ds(ci * CH, CH)],
                            idxbuf.at[pl.ds(0, CH)])

            def win2(j, _):
                v = idxbuf[pl.ds(j * 16, 16)]
                li = v - base
                m = plsc.bitcast(li, jnp.uint32) < rng_u
                ids = ci * CH + j * 16 + iota
                g = plsc.load_gather(inv_v, [li], mask=m)
                m2 = m & (g < ids)

                def cond(mm):
                    return jnp.max(plsc.all_reduce_population_count(mm)) > 0

                def fix(mm):
                    plsc.store_scatter(inv_v, [li], ids, mask=mm)
                    g2 = plsc.load_gather(inv_v, [li], mask=m)
                    return m & (g2 < ids)

                lax.while_loop(cond, fix, m2)
                return 0

            lax.fori_loop(0, CH // 16, win2, 0)
            return 0

        lax.fori_loop(0, NCH, fchunk_b, 0)

    def comp_b(j, cnt):
        for u in range(5):
            jj = j * 5 + u
            g = inv_v[pl.ds(jj * 16, 16)]
            m = g < NV
            vbuf[pl.ds(jj * 16, 16)] = jnp.where(m, 1, 0)
            c = plsc.cumsum(m.astype(jnp.int32))
            addr = cnt + c - 1
            row = lax.shift_right_logical(addr, 7)
            col = addr & 127
            pos = base + jj * 16 + iota
            plsc.store_scatter(plist, [row, col], pos, mask=m)
            plsc.store_scatter(ilist, [row, col], g, mask=m)
            cnt = cnt + plsc.all_reduce_population_count(m)
        return cnt

    with jax.named_scope("p3_compress"):
        cnt = lax.fori_loop(0, RNG // 80, comp_b, jnp.zeros((16,), jnp.int32))
    cnt_s = jnp.max(cnt)

    def pad_b(j, _):
        addr = cnt_s + j * 16 + iota
        row = lax.shift_right_logical(addr, 7)
        col = addr & 127
        pos = NPOS + wid * 128 + j * 16 + iota
        plsc.store_scatter(plist, [row, col], pos)
        plsc.store_scatter(ilist, [row, col], jnp.zeros((16,), jnp.int32))
        return 0

    lax.fori_loop(0, RB // 16, pad_b, 0)
    trips = (cnt_s + RB - 1) // RB

    def _issue_gather(t):
        pltpu.async_copy(vf_hbm.at[ilist.at[t]],
                         rowbuf.at[lax.rem(t, NBUF)], gsem)

    def _drain(sem):
        pltpu.make_async_copy(vf_hbm.at[ilist.at[0]], rowbuf.at[0],
                              sem).wait()

    def prol_b(t, _):
        _issue_gather(t)
        return 0

    lax.fori_loop(0, jnp.minimum(trips, 2), prol_b, 0)

    def trip_b(t, _):
        @pl.when(t >= 2)
        def _drain_old_scatter():
            _drain(ssem)

        @pl.when(t + 2 < trips)
        def _prefetch():
            _issue_gather(t + 2)

        _drain(gsem)
        pltpu.async_copy(rowbuf.at[lax.rem(t, NBUF)],
                         dense_hbm.at[plist.at[t]], ssem)
        return 0

    with jax.named_scope("p4_streams"):
        lax.fori_loop(0, trips, trip_b, 0)

    def epi_b(k, _):
        _drain(ssem)
        return 0

    lax.fori_loop(0, jnp.minimum(trips, 2), epi_b, 0)

    with jax.named_scope("p5_valid"):
        pltpu.sync_copy(vbuf, valid_hbm.at[pl.ds(base, RNG)])


_sc_scatter = functools.partial(
    pl.kernel,
    out_type=(
        jax.ShapeDtypeStruct((NPOS + PADR, C), jnp.float32),
        jax.ShapeDtypeStruct((NPOS,), jnp.int32),
    ),
    mesh=plsc.VectorSubcoreMesh(core_axis_name="c", subcore_axis_name="s"),
    compiler_params=pltpu.CompilerParams(needs_layout_passes=False,
                                         use_tc_tiling_on_sc=True),
    scratch_types=(
        pltpu.VMEM((2 * CH,), jnp.int32),
        pltpu.VMEM((RNG,), jnp.int32),
        pltpu.VMEM((RNG,), jnp.int32),
        pltpu.VMEM((LROWS, RB), jnp.int32),
        pltpu.VMEM((LROWS, RB), jnp.int32),
        pltpu.VMEM((NBUF, RB, C), jnp.float32),
        pltpu.SemaphoreType.DMA,
        pltpu.SemaphoreType.DMA,
        pltpu.SemaphoreType.DMA,
    ),
)(_sc_body)


def _il_body(x0_ref, x1_ref, v0_ref, v1_ref, o_ref):
    x0 = x0_ref[...]
    x1 = x1_ref[...]
    vm0 = (v0_ref[...].reshape(HB * W) != 0).astype(jnp.float32)[:, None]
    vm1 = (v1_ref[...].reshape(HB * W) != 0).astype(jnp.float32)[:, None]
    row = lax.broadcasted_iota(jnp.int32, (C, 2 * C), 0)
    col = lax.broadcasted_iota(jnp.int32, (C, 2 * C), 1)
    e0 = (col == 2 * row).astype(jnp.bfloat16)
    e1 = (col == 2 * row + 1).astype(jnp.bfloat16)

    def sel(x, e):
        hi = x.astype(jnp.bfloat16)
        lo = (x - hi.astype(jnp.float32)).astype(jnp.bfloat16)
        return (jnp.dot(hi, e, preferred_element_type=jnp.float32)
                + jnp.dot(lo, e, preferred_element_type=jnp.float32))

    o_ref[...] = sel(x0 * vm0, e0) + sel(x1 * vm1, e1)


def _interleave(dense, valid3d):
    nhb = H // HB
    return pl.pallas_call(
        _il_body,
        grid=(NB, nhb),
        in_specs=[
            pl.BlockSpec((HB * W, C), lambda n, hb: (2 * n * nhb + hb, 0)),
            pl.BlockSpec((HB * W, C),
                         lambda n, hb: ((2 * n + 1) * nhb + hb, 0)),
            pl.BlockSpec((1, HB * W // 128, 128),
                         lambda n, hb: (2 * n * nhb + hb, 0, 0)),
            pl.BlockSpec((1, HB * W // 128, 128),
                         lambda n, hb: ((2 * n + 1) * nhb + hb, 0, 0)),
        ],
        out_specs=pl.BlockSpec((HB * W, 2 * C), lambda n, hb: (n * nhb + hb, 0)),
        out_shape=jax.ShapeDtypeStruct((NB * H * W, 2 * C), jnp.float32),
    )(dense, dense, valid3d, valid3d)


@jax.jit
def kernel(voxel_features, voxel_indices):
    dense, valid = _sc_scatter(voxel_indices, voxel_features)
    phys = _interleave(
        dense, valid.reshape(D * NB * H // HB, HB * W // 128, 128))
    return jnp.transpose(phys.reshape(NB, H, W, D * C), (0, 3, 1, 2))

# --- scband reference (transcript-rebuilt; emitter-appended) ---
"""Pipeline reference for scband-height-compression-23244363006086 (READ-ONLY COPY).

The authoritative reference and input builder live on the scoring server;
editing this copy changes nothing except your own understanding.
"""

import jax, jax.numpy as jnp
import numpy as np

N_BATCH = 4
C = 128
D = 2
H = 200
W = 176
NVOX = 60000


def setup_inputs(seed: int = 0) -> dict:
    key = jax.random.key(seed)
    k1, k2 = jax.random.split(key)
    voxel_features = jax.random.normal(k1, (NVOX, C), dtype=jnp.float32)
    # linear index over (batch, z, y, x) flattened dense grid
    voxel_indices = jax.random.randint(k2, (NVOX,), 0, N_BATCH * D * H * W, dtype=jnp.int32)
    return {"voxel_features": voxel_features, "voxel_indices": voxel_indices}


def reference(voxel_features, voxel_indices):
    # SparseToDense: scatter-overwrite sparse voxel features into dense [N, D, H, W, C] grid
    dense_flat = jnp.zeros((N_BATCH * D * H * W, C), dtype=voxel_features.dtype)
    dense_flat = dense_flat.at[voxel_indices].set(voxel_features)
    dense = dense_flat.reshape(N_BATCH, D, H, W, C)
    # to channels-first [N, C, D, H, W] as scn.SparseToDense produces
    dense = jnp.transpose(dense, (0, 4, 1, 2, 3))
    # HeightCompression: view(N, C*D, H, W)
    spatial_features = dense.reshape(N_BATCH, C * D, H, W)
    return spatial_features

if __name__ == "__main__":
    import jax
    _d = setup_inputs()
    print(jax.jit(kernel)(*tuple(_d.values())))

</pallas_src>

<mosaic_0001>
#map = affine_map<(d0, d1) -> (0)>
#map1 = affine_map<(d0, d1) -> (0, 0)>
module attributes {stable_mosaic.version = 14 : i64} {
  func.func @_sc_body(%arg0: i32, %arg1: i32, %arg2: memref<60000xi32, #tpu.memory_space<hbm>>, %arg3: memref<60000x128xf32, #tpu.memory_space<hbm>>, %arg4: memref<285696x128xf32, #tpu.memory_space<hbm>>, %arg5: memref<281600xi32, #tpu.memory_space<hbm>>, %arg6: memref<12000xi32, #tpu.memory_space<vmem>>, %arg7: memref<8800xi32, #tpu.memory_space<vmem>>, %arg8: memref<8800xi32, #tpu.memory_space<vmem>>, %arg9: memref<70x128xi32, #tpu.memory_space<vmem>>, %arg10: memref<70x128xi32, #tpu.memory_space<vmem>>, %arg11: memref<4x128x128xf32, #tpu.memory_space<vmem>>, %arg12: memref<!tpu.dma_semaphore, #tpu.memory_space<semaphore_mem>>, %arg13: memref<!tpu.dma_semaphore, #tpu.memory_space<semaphore_mem>>, %arg14: memref<!tpu.dma_semaphore, #tpu.memory_space<semaphore_mem>>) attributes {dimension_semantics = [#tpu.dimension_semantics<core_parallel>, #tpu.dimension_semantics<subcore_parallel>], iteration_bounds = array<i64: 2, 16>, scalar_prefetch = 0 : i64, scratch_operands = 9 : i64, tpu.core_type = #tpu.core_type<sc_vector_subcore>, window_params = [{transform_indices = #map}, {transform_indices = #map1}, {transform_indices = #map1}, {transform_indices = #map}]} {
    %mul3A = arith.constant 2 : i32
    %mul3A_0 = arith.muli %arg1, %mul3A : i32
    %add3A = arith.addi %mul3A_0, %arg0 : i32
    %mul3A_1 = arith.constant 8800 : i32
    %mul3A_2 = arith.muli %add3A, %mul3A_1 : i32
    %iota3A = tpu.iota {dimensions = array<i32: 0>} : vector<16xi32>
    %broadcast_in_dim3A = arith.constant 1073741824 : i32
    %broadcast_in_dim3A_3 = vector.broadcast %broadcast_in_dim3A : i32 to vector<16xi32>
    "tpu.trace_start"() <{level = 10 : i32, message = "p1_init"}> : () -> ()
    %scan3A = arith.constant 0 : i32
    %scan3A_4 = arith.constant 0 : i32
    %scan3A_5 = arith.constant 110 : i32
    %scan3A_6 = arith.addi %scan3A_4, %scan3A_5 : i32
    %scan3A_7 = arith.constant 1 : i32
    %scan3A_8 = scf.for %scan3A_120 = %scan3A_4 to %scan3A_6 step %scan3A_7 iter_args(%scan3A_121 = %scan3A) -> (i32)  : i32 {
      %mul3A_122 = arith.constant 5 : i32
      %mul3A_123 = arith.muli %scan3A_120, %mul3A_122 : i32
      %add3A_124 = arith.constant 0 : i32
      %add3A_125 = arith.addi %mul3A_123, %add3A_124 : i32
      %mul3A_126 = arith.constant 16 : i32
      %mul3A_127 = arith.muli %add3A_125, %mul3A_126 : i32
      %swap3A = arith.index_cast %mul3A_127 : i32 to index
      %swap3A_128 = tpu.vector_load %arg7[%swap3A] {strides = array<i32>} : memref<8800xi32, #tpu.memory_space<vmem>>, vector<16xi32>,
      tpu.vector_store %arg7[%swap3A], %broadcast_in_dim3A_3 {strides = array<i32>} : memref<8800xi32, #tpu.memory_space<vmem>>, vector<16xi32>,
      %mul3A_129 = arith.constant 5 : i32
      %mul3A_130 = arith.muli %scan3A_120, %mul3A_129 : i32
      %add3A_131 = arith.constant 1 : i32
      %add3A_132 = arith.addi %mul3A_130, %add3A_131 : i32
      %mul3A_133 = arith.constant 16 : i32
      %mul3A_134 = arith.muli %add3A_132, %mul3A_133 : i32
      %swap3A_135 = arith.index_cast %mul3A_134 : i32 to index
      %swap3A_136 = tpu.vector_load %arg7[%swap3A_135] {strides = array<i32>} : memref<8800xi32, #tpu.memory_space<vmem>>, vector<16xi32>,
      tpu.vector_store %arg7[%swap3A_135], %broadcast_in_dim3A_3 {strides = array<i32>} : memref<8800xi32, #tpu.memory_space<vmem>>, vector<16xi32>,
      %mul3A_137 = arith.constant 5 : i32
      %mul3A_138 = arith.muli %scan3A_120, %mul3A_137 : i32
      %add3A_139 = arith.constant 2 : i32
      %add3A_140 = arith.addi %mul3A_138, %add3A_139 : i32
      %mul3A_141 = arith.constant 16 : i32
      %mul3A_142 = arith.muli %add3A_140, %mul3A_141 : i32
      %swap3A_143 = arith.index_cast %mul3A_142 : i32 to index
      %swap3A_144 = tpu.vector_load %arg7[%swap3A_143] {strides = array<i32>} : memref<8800xi32, #tpu.memory_space<vmem>>, vector<16xi32>,
      tpu.vector_store %arg7[%swap3A_143], %broadcast_in_dim3A_3 {strides = array<i32>} : memref<8800xi32, #tpu.memory_space<vmem>>, vector<16xi32>,
      %mul3A_145 = arith.constant 5 : i32
      %mul3A_146 = arith.muli %scan3A_120, %mul3A_145 : i32
      %add3A_147 = arith.constant 3 : i32
      %add3A_148 = arith.addi %mul3A_146, %add3A_147 : i32
      %mul3A_149 = arith.constant 16 : i32
      %mul3A_150 = arith.muli %add3A_148, %mul3A_149 : i32
      %swap3A_151 = arith.index_cast %mul3A_150 : i32 to index
      %swap3A_152 = tpu.vector_load %arg7[%swap3A_151] {strides = array<i32>} : memref<8800xi32, #tpu.memory_space<vmem>>, vector<16xi32>,
      tpu.vector_store %arg7[%swap3A_151], %broadcast_in_dim3A_3 {strides = array<i32>} : memref<8800xi32, #tpu.memory_space<vmem>>, vector<16xi32>,
      %mul3A_153 = arith.constant 5 : i32
      %mul3A_154 = arith.muli %scan3A_120, %mul3A_153 : i32
      %add3A_155 = arith.constant 4 : i32
      %add3A_156 = arith.addi %mul3A_154, %add3A_155 : i32
      %mul3A_157 = arith.constant 16 : i32
      %mul3A_158 = arith.muli %add3A_156, %mul3A_157 : i32
      %swap3A_159 = arith.index_cast %mul3A_158 : i32 to index
      %swap3A_160 = tpu.vector_load %arg7[%swap3A_159] {strides = array<i32>} : memref<8800xi32, #tpu.memory_space<vmem>>, vector<16xi32>,
      tpu.vector_store %arg7[%swap3A_159], %broadcast_in_dim3A_3 {strides = array<i32>} : memref<8800xi32, #tpu.memory_space<vmem>>, vector<16xi32>,
      %scan3A_161 = arith.constant 0 : i32
      scf.yield %scan3A_161 : i32
    }
    %scan3A_9 = arith.constant 110 : i32
    "tpu.trace_stop"() : () -> ()
    "tpu.trace_start"() <{level = 10 : i32, message = "p2_scan"}> : () -> ()
    %rem3A = arith.constant 0 : i32
    %rem3A_10 = arith.constant 2 : i32
    %rem3A_11 = arith.remsi %rem3A, %rem3A_10 : i32
    %mul3A_12 = arith.constant 6000 : i32
    %mul3A_13 = arith.muli %rem3A_11, %mul3A_12 : i32
    %dma_start3A = tpu.memref_slice %arg6[%mul3A_13] : memref<12000xi32, #tpu.memory_space<vmem>> -> memref<6000xi32, #tpu.memory_space<vmem>>
    %dma_start3A_14 = arith.constant 0 : i32
    %dma_start3A_15 = tpu.memref_slice %arg2[%dma_start3A_14] : memref<60000xi32, #tpu.memory_space<hbm>> -> memref<6000xi32, #tpu.memory_space<hbm>>
    %dma_start3A_16 = tpu.memref_slice %arg6[%mul3A_13] : memref<12000xi32, #tpu.memory_space<vmem>> -> memref<6000xi32, #tpu.memory_space<vmem>>
    %dma_start3A_17 = arith.constant 0 : i32
    %dma_start3A_18 = tpu.memref_slice %arg2[%dma_start3A_17] : memref<60000xi32, #tpu.memory_space<hbm>> -> memref<6000xi32, #tpu.memory_space<hbm>>
    tpu.enqueue_dma source(%dma_start3A_18 : memref<6000xi32, #tpu.memory_space<hbm>>) target(%dma_start3A_16 : memref<6000xi32, #tpu.memory_space<vmem>>) target_semaphore(%arg14 : memref<!tpu.dma_semaphore, #tpu.memory_space<semaphore_mem>>)
    %broadcast_in_dim3A_19 = arith.constant false
    %broadcast_in_dim3A_20 = vector.broadcast %broadcast_in_dim3A_19 : i1 to vector<16xi1>
    %scan3A_21 = arith.constant 8800 : i32
    %scan3A_22 = arith.constant 0 : i32
    %scan3A_23 = arith.constant 10 : i32
    %scan3A_24 = arith.addi %scan3A_22, %scan3A_23 : i32
    %scan3A_25 = arith.constant 1 : i32
    %scan3A_26 = scf.for %scan3A_120 = %scan3A_22 to %scan3A_24 step %scan3A_25 iter_args(%scan3A_121 = %broadcast_in_dim3A_20) -> (vector<16xi1>)  : i32 {
      %add3A_122 = arith.constant 1 : i32
      %add3A_123 = arith.addi %scan3A_120, %add3A_122 : i32
      %lt3A = arith.constant 10 : i32
      %lt3A_124 = arith.cmpi slt, %add3A_123, %lt3A : i32
      %convert_element_type3A_125 = arith.extui %lt3A_124 : i1 to i32
      %cond3A_126 = arith.constant 0 : i32
      %cond3A_127 = arith.cmpi ne, %convert_element_type3A_125, %cond3A_126 : i32
      scf.if %cond3A_127 {
        %add3A_145 = arith.constant 1 : i32
        %add3A_146 = arith.addi %scan3A_120, %add3A_145 : i32
        %mul3A_147 = arith.constant 6000 : i32
        %mul3A_148 = arith.muli %add3A_146, %mul3A_147 : i32
        %rem3A_149 = arith.constant 2 : i32
        %rem3A_150 = arith.remsi %add3A_146, %rem3A_149 : i32
        %mul3A_151 = arith.constant 6000 : i32
        %mul3A_152 = arith.muli %rem3A_150, %mul3A_151 : i32
        %dma_start3A_153 = tpu.memref_slice %arg6[%mul3A_152] : memref<12000xi32, #tpu.memory_space<vmem>> -> memref<6000xi32, #tpu.memory_space<vmem>>
        %dma_start3A_154 = tpu.memref_slice %arg2[%mul3A_148] : memref<60000xi32, #tpu.memory_space<hbm>> -> memref<6000xi32, #tpu.memory_space<hbm>>
        %dma_start3A_155 = tpu.memref_slice %arg6[%mul3A_152] : memref<12000xi32, #tpu.memory_space<vmem>> -> memref<6000xi32, #tpu.memory_space<vmem>>
        %dma_start3A_156 = tpu.memref_slice %arg2[%mul3A_148] : memref<60000xi32, #tpu.memory_space<hbm>> -> memref<6000xi32, #tpu.memory_space<hbm>>
        tpu.enqueue_dma source(%dma_start3A_156 : memref<6000xi32, #tpu.memory_space<hbm>>) target(%dma_start3A_155 : memref<6000xi32, #tpu.memory_space<vmem>>) target_semaphore(%arg14 : memref<!tpu.dma_semaphore, #tpu.memory_space<semaphore_mem>>)
      } else {
      }
      %dma_wait3A = arith.constant 0 : i32
      %dma_wait3A_128 = tpu.memref_slice %arg6[%dma_wait3A] : memref<12000xi32, #tpu.memory_space<vmem>> -> memref<6000xi32, #tpu.memory_space<vmem>>
      %dma_wait3A_129 = arith.constant 0 : i32
      %dma_wait3A_130 = tpu.memref_slice %arg2[%dma_wait3A_129] : memref<60000xi32, #tpu.memory_space<hbm>> -> memref<6000xi32, #tpu.memory_space<hbm>>
      %dma_wait3A_131 = arith.constant 0 : i32
      %dma_wait3A_132 = tpu.memref_slice %arg6[%dma_wait3A_131] : memref<12000xi32, #tpu.memory_space<vmem>> -> memref<6000xi32, #tpu.memory_space<vmem>>
      %dma_wait3A_133 = arith.constant 0 : i32
      %dma_wait3A_134 = tpu.memref_slice %arg2[%dma_wait3A_133] : memref<60000xi32, #tpu.memory_space<hbm>> -> memref<6000xi32, #tpu.memory_space<hbm>>
      tpu.wait_dma2 semaphore(%arg14 : memref<!tpu.dma_semaphore, #tpu.memory_space<semaphore_mem>>) src(%dma_wait3A_134 : memref<6000xi32, #tpu.memory_space<hbm>>) dst(%dma_wait3A_132 : memref<6000xi32, #tpu.memory_space<vmem>>)
      %rem3A_135 = arith.constant 2 : i32
      %rem3A_136 = arith.remsi %scan3A_120, %rem3A_135 : i32
      %mul3A_137 = arith.constant 6000 : i32
      %mul3A_138 = arith.muli %rem3A_136, %mul3A_137 : i32
      %scan3A_139 = arith.constant 0 : i32
      %scan3A_140 = arith.constant 75 : i32
      %scan3A_141 = arith.addi %scan3A_139, %scan3A_140 : i32
      %scan3A_142 = arith.constant 1 : i32
      %scan3A_143 = scf.for %scan3A_145 = %scan3A_139 to %scan3A_141 step %scan3A_142 iter_args(%scan3A_146 = %scan3A_121) -> (vector<16xi1>)  : i32 {
        %mul3A_147 = arith.constant 5 : i32
        %mul3A_148 = arith.muli %scan3A_145, %mul3A_147 : i32
        %add3A_149 = arith.constant 0 : i32
        %add3A_150 = arith.addi %mul3A_148, %add3A_149 : i32
        %mul3A_151 = arith.constant 16 : i32
        %mul3A_152 = arith.muli %add3A_150, %mul3A_151 : i32
        %add3A_153 = arith.addi %mul3A_138, %mul3A_152 : i32
        %get3A = arith.index_cast %add3A_153 : i32 to index
        %get3A_154 = tpu.vector_load %arg6[%get3A] {strides = array<i32>} : memref<12000xi32, #tpu.memory_space<vmem>>, vector<16xi32>,
        %sub3A_155 = vector.broadcast %mul3A_2 : i32 to vector<16xi32>
        %sub3A_156 = arith.subi %get3A_154, %sub3A_155 : vector<16xi32>
        %bitcast3A = vector.bitcast %sub3A_156 : vector<16xi32> to vector<16xi32>
        %lt3A_157 = vector.broadcast %scan3A_21 : i32 to vector<16xi32>
        %lt3A_158 = arith.cmpi ult, %bitcast3A, %lt3A_157 : vector<16xi32>
        %mul3A_159 = arith.constant 6000 : i32
        %mul3A_160 = arith.muli %scan3A_120, %mul3A_159 : i32
        %mul3A_161 = arith.constant 16 : i32
        %mul3A_162 = arith.muli %add3A_150, %mul3A_161 : i32
        %add3A_163 = arith.addi %mul3A_160, %mul3A_162 : i32
        %add3A_164 = vector.broadcast %add3A_163 : i32 to vector<16xi32>
        %add3A_165 = arith.addi %add3A_164, %iota3A : vector<16xi32>
        tpu.vector_store_idx %arg7[%sub3A_156], %add3A_165 masked %lt3A_158 : memref<8800xi32, #tpu.memory_space<vmem>>[vector<16xi32>], vector<16xi32>, vector<16xi1>
        %gather3A = tpu.vector_load_idx %arg7[%sub3A_156] masked %lt3A_158 : memref<8800xi32, #tpu.memory_space<vmem>>[vector<16xi32>], vector<16xi32>, vector<16xi1>
        %lt3A_166 = arith.cmpi slt, %gather3A, %add3A_165 : vector<16xi32>
        %and3A_167 = arith.andi %lt3A_158, %lt3A_166 : vector<16xi1>
        %or3A = arith.ori %scan3A_146, %and3A_167 : vector<16xi1>
        %mul3A_168 = arith.constant 5 : i32
        %mul3A_169 = arith.muli %scan3A_145, %mul3A_168 : i32
        %add3A_170 = arith.constant 1 : i32
        %add3A_171 = arith.addi %mul3A_169, %add3A_170 : i32
        %mul3A_172 = arith.constant 16 : i32
        %mul3A_173 = arith.muli %add3A_171, %mul3A_172 : i32
        %add3A_174 = arith.addi %mul3A_138, %mul3A_173 : i32
        %get3A_175 = arith.index_cast %add3A_174 : i32 to index
        %get3A_176 = tpu.vector_load %arg6[%get3A_175] {strides = array<i32>} : memref<12000xi32, #tpu.memory_space<vmem>>, vector<16xi32>,
        %sub3A_177 = vector.broadcast %mul3A_2 : i32 to vector<16xi32>
        %sub3A_178 = arith.subi %get3A_176, %sub3A_177 : vector<16xi32>
        %bitcast3A_179 = vector.bitcast %sub3A_178 : vector<16xi32> to vector<16xi32>
        %lt3A_180 = vector.broadcast %scan3A_21 : i32 to vector<16xi32>
        %lt3A_181 = arith.cmpi ult, %bitcast3A_179, %lt3A_180 : vector<16xi32>
        %mul3A_182 = arith.constant 6000 : i32
        %mul3A_183 = arith.muli %scan3A_120, %mul3A_182 : i32
        %mul3A_184 = arith.constant 16 : i32
        %mul3A_185 = arith.muli %add3A_171, %mul3A_184 : i32
        %add3A_186 = arith.addi %mul3A_183, %mul3A_185 : i32
        %add3A_187 = vector.broadcast %add3A_186 : i32 to vector<16xi32>
        %add3A_188 = arith.addi %add3A_187, %iota3A : vector<16xi32>
        tpu.vector_store_idx %arg7[%sub3A_178], %add3A_188 masked %lt3A_181 : memref<8800xi32, #tpu.memory_space<vmem>>[vector<16xi32>], vector<16xi32>, vector<16xi1>
        %gather3A_189 = tpu.vector_load_idx %arg7[%sub3A_178] masked %lt3A_181 : memref<8800xi32, #tpu.memory_space<vmem>>[vector<16xi32>], vector<16xi32>, vector<16xi1>
        %lt3A_190 = arith.cmpi slt, %gather3A_189, %add3A_188 : vector<16xi32>
        %and3A_191 = arith.andi %lt3A_181, %lt3A_190 : vector<16xi1>
        %or3A_192 = arith.ori %or3A, %and3A_191 : vector<16xi1>
        %mul3A_193 = arith.constant 5 : i32
        %mul3A_194 = arith.muli %scan3A_145, %mul3A_193 : i32
        %add3A_195 = arith.constant 2 : i32
        %add3A_196 = arith.addi %mul3A_194, %add3A_195 : i32
        %mul3A_197 = arith.constant 16 : i32
        %mul3A_198 = arith.muli %add3A_196, %mul3A_197 : i32
        %add3A_199 = arith.addi %mul3A_138, %mul3A_198 : i32
        %get3A_200 = arith.index_cast %add3A_199 : i32 to index
        %get3A_201 = tpu.vector_load %arg6[%get3A_200] {strides = array<i32>} : memref<12000xi32, #tpu.memory_space<vmem>>, vector<16xi32>,
        %sub3A_202 = vector.broadcast %mul3A_2 : i32 to vector<16xi32>
        %sub3A_203 = arith.subi %get3A_201, %sub3A_202 : vector<16xi32>
        %bitcast3A_204 = vector.bitcast %sub3A_203 : vector<16xi32> to vector<16xi32>
        %lt3A_205 = vector.broadcast %scan3A_21 : i32 to vector<16xi32>
        %lt3A_206 = arith.cmpi ult, %bitcast3A_204, %lt3A_205 : vector<16xi32>
        %mul3A_207 = arith.constant 6000 : i32
        %mul3A_208 = arith.muli %scan3A_120, %mul3A_207 : i32
        %mul3A_209 = arith.constant 16 : i32
        %mul3A_210 = arith.muli %add3A_196, %mul3A_209 : i32
        %add3A_211 = arith.addi %mul3A_208, %mul3A_210 : i32
        %add3A_212 = vector.broadcast %add3A_211 : i32 to vector<16xi32>
        %add3A_213 = arith.addi %add3A_212, %iota3A : vector<16xi32>
        tpu.vector_store_idx %arg7[%sub3A_203], %add3A_213 masked %lt3A_206 : memref<8800xi32, #tpu.memory_space<vmem>>[vector<16xi32>], vector<16xi32>, vector<16xi1>
        %gather3A_214 = tpu.vector_load_idx %arg7[%sub3A_203] masked %lt3A_206 : memref<8800xi32, #tpu.memory_space<vmem>>[vector<16xi32>], vector<16xi32>, vector<16xi1>
        %lt3A_215 = arith.cmpi slt, %gather3A_214, %add3A_213 : vector<16xi32>
        %and3A_216 = arith.andi %lt3A_206, %lt3A_215 : vector<16xi1>
        %or3A_217 = arith.ori %or3A_192, %and3A_216 : vector<16xi1>
        %mul3A_218 = arith.constant 5 : i32
        %mul3A_219 = arith.muli %scan3A_145, %mul3A_218 : i32
        %add3A_220 = arith.constant 3 : i32
        %add3A_221 = arith.addi %mul3A_219, %add3A_220 : i32
        %mul3A_222 = arith.constant 16 : i32
        %mul3A_223 = arith.muli %add3A_221, %mul3A_222 : i32
        %add3A_224 = arith.addi %mul3A_138, %mul3A_223 : i32
        %get3A_225 = arith.index_cast %add3A_224 : i32 to index
        %get3A_226 = tpu.vector_load %arg6[%get3A_225] {strides = array<i32>} : memref<12000xi32, #tpu.memory_space<vmem>>, vector<16xi32>,
        %sub3A_227 = vector.broadcast %mul3A_2 : i32 to vector<16xi32>
        %sub3A_228 = arith.subi %get3A_226, %sub3A_227 : vector<16xi32>
        %bitcast3A_229 = vector.bitcast %sub3A_228 : vector<16xi32> to vector<16xi32>
        %lt3A_230 = vector.broadcast %scan3A_21 : i32 to vector<16xi32>
        %lt3A_231 = arith.cmpi ult, %bitcast3A_229, %lt3A_230 : vector<16xi32>
        %mul3A_232 = arith.constant 6000 : i32
        %mul3A_233 = arith.muli %scan3A_120, %mul3A_232 : i32
        %mul3A_234 = arith.constant 16 : i32
        %mul3A_235 = arith.muli %add3A_221, %mul3A_234 : i32
        %add3A_236 = arith.addi %mul3A_233, %mul3A_235 : i32
        %add3A_237 = vector.broadcast %add3A_236 : i32 to vector<16xi32>
        %add3A_238 = arith.addi %add3A_237, %iota3A : vector<16xi32>
        tpu.vector_store_idx %arg7[%sub3A_228], %add3A_238 masked %lt3A_231 : memref<8800xi32, #tpu.memory_space<vmem>>[vector<16xi32>], vector<16xi32>, vector<16xi1>
        %gather3A_239 = tpu.vector_load_idx %arg7[%sub3A_228] masked %lt3A_231 : memref<8800xi32, #tpu.memory_space<vmem>>[vector<16xi32>], vector<16xi32>, vector<16xi1>
        %lt3A_240 = arith.cmpi slt, %gather3A_239, %add3A_238 : vector<16xi32>
        %and3A_241 = arith.andi %lt3A_231, %lt3A_240 : vector<16xi1>
        %or3A_242 = arith.ori %or3A_217, %and3A_241 : vector<16xi1>
        %mul3A_243 = arith.constant 5 : i32
        %mul3A_244 = arith.muli %scan3A_145, %mul3A_243 : i32
        %add3A_245 = arith.constant 4 : i32
        %add3A_246 = arith.addi %mul3A_244, %add3A_245 : i32
        %mul3A_247 = arith.constant 16 : i32
        %mul3A_248 = arith.muli %add3A_246, %mul3A_247 : i32
        %add3A_249 = arith.addi %mul3A_138, %mul3A_248 : i32
        %get3A_250 = arith.index_cast %add3A_249 : i32 to index
        %get3A_251 = tpu.vector_load %arg6[%get3A_250] {strides = array<i32>} : memref<12000xi32, #tpu.memory_space<vmem>>, vector<16xi32>,
        %sub3A_252 = vector.broadcast %mul3A_2 : i32 to vector<16xi32>
        %sub3A_253 = arith.subi %get3A_251, %sub3A_252 : vector<16xi32>
        %bitcast3A_254 = vector.bitcast %sub3A_253 : vector<16xi32> to vector<16xi32>
        %lt3A_255 = vector.broadcast %scan3A_21 : i32 to vector<16xi32>
        %lt3A_256 = arith.cmpi ult, %bitcast3A_254, %lt3A_255 : vector<16xi32>
        %mul3A_257 = arith.constant 6000 : i32
        %mul3A_258 = arith.muli %scan3A_120, %mul3A_257 : i32
        %mul3A_259 = arith.constant 16 : i32
        %mul3A_260 = arith.muli %add3A_246, %mul3A_259 : i32
        %add3A_261 = arith.addi %mul3A_258, %mul3A_260 : i32
        %add3A_262 = vector.broadcast %add3A_261 : i32 to vector<16xi32>
        %add3A_263 = arith.addi %add3A_262, %iota3A : vector<16xi32>
        tpu.vector_store_idx %arg7[%sub3A_253], %add3A_263 masked %lt3A_256 : memref<8800xi32, #tpu.memory_space<vmem>>[vector<16xi32>], vector<16xi32>, vector<16xi1>
        %gather3A_264 = tpu.vector_load_idx %arg7[%sub3A_253] masked %lt3A_256 : memref<8800xi32, #tpu.memory_space<vmem>>[vector<16xi32>], vector<16xi32>, vector<16xi1>
        %lt3A_265 = arith.cmpi slt, %gather3A_264, %add3A_263 : vector<16xi32>
        %and3A_266 = arith.andi %lt3A_256, %lt3A_265 : vector<16xi1>
        %or3A_267 = arith.ori %or3A_242, %and3A_266 : vector<16xi1>
        scf.yield %or3A_267 : vector<16xi1>
      }
      %scan3A_144 = arith.constant 75 : i32
      scf.yield %scan3A_143 : vector<16xi1>
    }
    %scan3A_27 = arith.constant 10 : i32
    "tpu.trace_stop"() : () -> ()
    %all_reduce_population_count3A = tpu.all_reduce %scan3A_26 {dim = 0 : i64, kind = #tpu.reduction_kind<sum>} : vector<16xi1> -> vector<16xi32>
    %reduce_max3A = arith.constant true
    %reduce_max3A_28 = vector.broadcast %reduce_max3A : i1 to vector<16xi1>
    %reduce_max3A_29 = arith.constant -2147483648 : i32
    %reduce_max3A_30 = vector.broadcast %reduce_max3A_29 : i32 to vector<16xi32>
    %reduce_max3A_31 = arith.xori %all_reduce_population_count3A, %reduce_max3A_30 : vector<16xi32>
    %reduce_max3A_32 = tpu.scan <max>, %reduce_max3A_31 masked %reduce_max3A_28 : vector<16xi32>, vector<16xi1> -> vector<16xi32>
    %reduce_max3A_33 = arith.xori %reduce_max3A_32, %reduce_max3A_30 : vector<16xi32>
    %reduce_max3A_34 = vector.extract %reduce_max3A_33[15] : i32 from vector<16xi32>
    %gt3A = arith.constant 0 : i32
    %gt3A_35 = arith.cmpi sgt, %reduce_max3A_34, %gt3A : i32
    %convert_element_type3A = arith.extui %gt3A_35 : i1 to i32
    %cond3A = arith.constant 8800 : i32
    %cond3A_36 = arith.constant 0 : i32
    %cond3A_37 = arith.cmpi ne, %convert_element_type3A, %cond3A_36 : i32
    scf.if %cond3A_37 {
      %scan3A_120 = arith.constant 0 : i32
      %scan3A_121 = arith.constant 0 : i32
      %scan3A_122 = arith.constant 10 : i32
      %scan3A_123 = arith.addi %scan3A_121, %scan3A_122 : i32
      %scan3A_124 = arith.constant 1 : i32
      %scan3A_125 = scf.for %scan3A_127 = %scan3A_121 to %scan3A_123 step %scan3A_124 iter_args(%scan3A_128 = %scan3A_120) -> (i32)  : i32 {
        %mul3A_129 = arith.constant 6000 : i32
        %mul3A_130 = arith.muli %scan3A_127, %mul3A_129 : i32
        "tpu.region"() ({
          %run_scoped3A = tpu.sem_alloc : memref<!tpu.dma_semaphore, #tpu.memory_space<semaphore_mem>>
          %dma_start3A_139 = arith.constant 0 : i32
          %dma_start3A_140 = tpu.memref_slice %arg6[%dma_start3A_139] : memref<12000xi32, #tpu.memory_space<vmem>> -> memref<6000xi32, #tpu.memory_space<vmem>>
          %dma_start3A_141 = tpu.memref_slice %arg2[%mul3A_130] : memref<60000xi32, #tpu.memory_space<hbm>> -> memref<6000xi32, #tpu.memory_space<hbm>>
          %dma_start3A_142 = arith.constant 0 : i32
          %dma_start3A_143 = tpu.memref_slice %arg6[%dma_start3A_142] : memref<12000xi32, #tpu.memory_space<vmem>> -> memref<6000xi32, #tpu.memory_space<vmem>>
          %dma_start3A_144 = tpu.memref_slice %arg2[%mul3A_130] : memref<60000xi32, #tpu.memory_space<hbm>> -> memref<6000xi32, #tpu.memory_space<hbm>>
          tpu.enqueue_dma source(%dma_start3A_144 : memref<6000xi32, #tpu.memory_space<hbm>>) target(%dma_start3A_143 : memref<6000xi32, #tpu.memory_space<vmem>>) target_semaphore(%run_scoped3A : memref<!tpu.dma_semaphore, #tpu.memory_space<semaphore_mem>>)
          %dma_wait3A = arith.constant 0 : i32
          %dma_wait3A_145 = tpu.memref_slice %arg6[%dma_wait3A] : memref<12000xi32, #tpu.memory_space<vmem>> -> memref<6000xi32, #tpu.memory_space<vmem>>
          %dma_wait3A_146 = tpu.memref_slice %arg2[%mul3A_130] : memref<60000xi32, #tpu.memory_space<hbm>> -> memref<6000xi32, #tpu.memory_space<hbm>>
          %dma_wait3A_147 = arith.constant 0 : i32
          %dma_wait3A_148 = tpu.memref_slice %arg6[%dma_wait3A_147] : memref<12000xi32, #tpu.memory_space<vmem>> -> memref<6000xi32, #tpu.memory_space<vmem>>
          %dma_wait3A_149 = tpu.memref_slice %arg2[%mul3A_130] : memref<60000xi32, #tpu.memory_space<hbm>> -> memref<6000xi32, #tpu.memory_space<hbm>>
          tpu.wait_dma2 semaphore(%run_scoped3A : memref<!tpu.dma_semaphore, #tpu.memory_space<semaphore_mem>>) src(%dma_wait3A_149 : memref<6000xi32, #tpu.memory_space<hbm>>) dst(%dma_wait3A_148 : memref<6000xi32, #tpu.memory_space<vmem>>)
          tpu.yield
        }) : () -> ()
        %scan3A_131 = arith.constant 0 : i32
        %scan3A_132 = arith.constant 0 : i32
        %scan3A_133 = arith.constant 375 : i32
        %scan3A_134 = arith.addi %scan3A_132, %scan3A_133 : i32
        %scan3A_135 = arith.constant 1 : i32
        %scan3A_136 = scf.for %scan3A_139 = %scan3A_132 to %scan3A_134 step %scan3A_135 iter_args(%scan3A_140 = %scan3A_131) -> (i32)  : i32 {
          %mul3A_141 = arith.constant 16 : i32
          %mul3A_142 = arith.muli %scan3A_139, %mul3A_141 : i32
          %get3A = arith.index_cast %mul3A_142 : i32 to index
          %get3A_143 = tpu.vector_load %arg6[%get3A] {strides = array<i32>} : memref<12000xi32, #tpu.memory_space<vmem>>, vector<16xi32>,
          %sub3A_144 = vector.broadcast %mul3A_2 : i32 to vector<16xi32>
          %sub3A_145 = arith.subi %get3A_143, %sub3A_144 : vector<16xi32>
          %bitcast3A = vector.bitcast %sub3A_145 : vector<16xi32> to vector<16xi32>
          %lt3A = vector.broadcast %cond3A : i32 to vector<16xi32>
          %lt3A_146 = arith.cmpi ult, %bitcast3A, %lt3A : vector<16xi32>
          %mul3A_147 = arith.constant 6000 : i32
          %mul3A_148 = arith.muli %scan3A_127, %mul3A_147 : i32
          %mul3A_149 = arith.constant 16 : i32
          %mul3A_150 = arith.muli %scan3A_139, %mul3A_149 : i32
          %add3A_151 = arith.addi %mul3A_148, %mul3A_150 : i32
          %add3A_152 = vector.broadcast %add3A_151 : i32 to vector<16xi32>
          %add3A_153 = arith.addi %add3A_152, %iota3A : vector<16xi32>
          %gather3A = tpu.vector_load_idx %arg7[%sub3A_145] masked %lt3A_146 : memref<8800xi32, #tpu.memory_space<vmem>>[vector<16xi32>], vector<16xi32>, vector<16xi1>
          %lt3A_154 = arith.cmpi slt, %gather3A, %add3A_153 : vector<16xi32>
          %and3A_155 = arith.andi %lt3A_146, %lt3A_154 : vector<16xi1>
          %while3A_156 = scf.while (%while3A_158 = %and3A_155) : (vector<16xi1>) -> vector<16xi1> {
            %all_reduce_population_count3A_159 = tpu.all_reduce %while3A_158 {dim = 0 : i64, kind = #tpu.reduction_kind<sum>} : vector<16xi1> -> vector<16xi32>
            %reduce_max3A_160 = arith.constant true
            %reduce_max3A_161 = vector.broadcast %reduce_max3A_160 : i1 to vector<16xi1>
            %reduce_max3A_162 = arith.constant -2147483648 : i32
            %reduce_max3A_163 = vector.broadcast %reduce_max3A_162 : i32 to vector<16xi32>
            %reduce_max3A_164 = arith.xori %all_reduce_population_count3A_159, %reduce_max3A_163 : vector<16xi32>
            %reduce_max3A_165 = tpu.scan <max>, %reduce_max3A_164 masked %reduce_max3A_161 : vector<16xi32>, vector<16xi1> -> vector<16xi32>
            %reduce_max3A_166 = arith.xori %reduce_max3A_165, %reduce_max3A_163 : vector<16xi32>
            %reduce_max3A_167 = vector.extract %reduce_max3A_166[15] : i32 from vector<16xi32>
            %gt3A_168 = arith.constant 0 : i32
            %gt3A_169 = arith.cmpi sgt, %reduce_max3A_167, %gt3A_168 : i32
            scf.condition(%gt3A_169) %while3A_158 : vector<16xi1>
          } do {
          ^bb0(%while3A_158: vector<16xi1>):
            tpu.vector_store_idx %arg7[%sub3A_145], %add3A_153 masked %while3A_158 : memref<8800xi32, #tpu.memory_space<vmem>>[vector<16xi32>], vector<16xi32>, vector<16xi1>
            %gather3A_159 = tpu.vector_load_idx %arg7[%sub3A_145] masked %lt3A_146 : memref<8800xi32, #tpu.memory_space<vmem>>[vector<16xi32>], vector<16xi32>, vector<16xi1>
            %lt3A_160 = arith.cmpi slt, %gather3A_159, %add3A_153 : vector<16xi32>
            %and3A_161 = arith.andi %lt3A_146, %lt3A_160 : vector<16xi1>
            scf.yield %and3A_161 : vector<16xi1>
          }
          %scan3A_157 = arith.constant 0 : i32
          scf.yield %scan3A_157 : i32
        }
        %scan3A_137 = arith.constant 375 : i32
        %scan3A_138 = arith.constant 0 : i32
        scf.yield %scan3A_138 : i32
      }
      %scan3A_126 = arith.constant 10 : i32
    } else {
    }
    %broadcast_in_dim3A_38 = arith.constant 0 : i32
    "tpu.trace_start"() <{level = 10 : i32, message = "p3_compress"}> : () -> ()
    %broadcast_in_dim3A_39 = vector.broadcast %broadcast_in_dim3A_38 : i32 to vector<16xi32>
    %scan3A_40 = arith.constant 0 : i32
    %scan3A_41 = arith.constant 110 : i32
    %scan3A_42 = arith.addi %scan3A_40, %scan3A_41 : i32
    %scan3A_43 = arith.constant 1 : i32
    %scan3A_44 = scf.for %scan3A_120 = %scan3A_40 to %scan3A_42 step %scan3A_43 iter_args(%scan3A_121 = %broadcast_in_dim3A_39) -> (vector<16xi32>)  : i32 {
      %mul3A_122 = arith.constant 5 : i32
      %mul3A_123 = arith.muli %scan3A_120, %mul3A_122 : i32
      %add3A_124 = arith.constant 0 : i32
      %add3A_125 = arith.addi %mul3A_123, %add3A_124 : i32
      %mul3A_126 = arith.constant 16 : i32
      %mul3A_127 = arith.muli %add3A_125, %mul3A_126 : i32
      %get3A = arith.index_cast %mul3A_127 : i32 to index
      %get3A_128 = tpu.vector_load %arg7[%get3A] {strides = array<i32>} : memref<8800xi32, #tpu.memory_space<vmem>>, vector<16xi32>,
      %lt3A = arith.constant 60000 : i32
      %lt3A_129 = vector.broadcast %lt3A : i32 to vector<16xi32>
      %lt3A_130 = arith.cmpi slt, %get3A_128, %lt3A_129 : vector<16xi32>
      %jit3A_131 = arith.constant 1 : i32
      %jit3A_132 = arith.constant 0 : i32
      %broadcast_in_dim3A_133 = vector.broadcast %jit3A_131 : i32 to vector<16xi32>
      %broadcast_in_dim3A_134 = vector.broadcast %jit3A_132 : i32 to vector<16xi32>
      %select_n3A_135 = arith.select %lt3A_130, %broadcast_in_dim3A_133, %broadcast_in_dim3A_134 : vector<16xi1>, vector<16xi32>
      %mul3A_136 = arith.constant 16 : i32
      %mul3A_137 = arith.muli %add3A_125, %mul3A_136 : i32
      %swap3A = arith.index_cast %mul3A_137 : i32 to index
      %swap3A_138 = tpu.vector_load %arg8[%swap3A] {strides = array<i32>} : memref<8800xi32, #tpu.memory_space<vmem>>, vector<16xi32>,
      tpu.vector_store %arg8[%swap3A], %select_n3A_135 {strides = array<i32>} : memref<8800xi32, #tpu.memory_space<vmem>>, vector<16xi32>,
      %convert_element_type3A_139 = arith.extui %lt3A_130 : vector<16xi1> to vector<16xi32>
      %broadcast_in_dim3A_140 = arith.constant true
      %broadcast_in_dim3A_141 = vector.broadcast %broadcast_in_dim3A_140 : i1 to vector<16xi1>
      %masked_cumsum3A = tpu.scan <sum>, %convert_element_type3A_139 masked %broadcast_in_dim3A_141 : vector<16xi32>, vector<16xi1> -> vector<16xi32>
      %add3A_142 = arith.addi %scan3A_121, %masked_cumsum3A : vector<16xi32>
      %sub3A_143 = arith.constant 1 : i32
      %sub3A_144 = vector.broadcast %sub3A_143 : i32 to vector<16xi32>
      %sub3A_145 = arith.subi %add3A_142, %sub3A_144 : vector<16xi32>
      %shift_right_logical3A = arith.constant 7 : i32
      %shift_right_logical3A_146 = vector.broadcast %shift_right_logical3A : i32 to vector<16xi32>
      %shift_right_logical3A_147 = arith.shrui %sub3A_145, %shift_right_logical3A_146 : vector<16xi32>
      %and3A_148 = arith.constant 127 : i32
      %and3A_149 = vector.broadcast %and3A_148 : i32 to vector<16xi32>
      %and3A_150 = arith.andi %sub3A_145, %and3A_149 : vector<16xi32>
      %mul3A_151 = arith.constant 16 : i32
      %mul3A_152 = arith.muli %add3A_125, %mul3A_151 : i32
      %add3A_153 = arith.addi %mul3A_2, %mul3A_152 : i32
      %add3A_154 = vector.broadcast %add3A_153 : i32 to vector<16xi32>
      %add3A_155 = arith.addi %add3A_154, %iota3A : vector<16xi32>
      tpu.vector_store_idx %arg9[%shift_right_logical3A_147, %and3A_150], %add3A_155 masked %lt3A_130 : memref<70x128xi32, #tpu.memory_space<vmem>>[vector<16xi32>, vector<16xi32>], vector<16xi32>, vector<16xi1>
      tpu.vector_store_idx %arg10[%shift_right_logical3A_147, %and3A_150], %get3A_128 masked %lt3A_130 : memref<70x128xi32, #tpu.memory_space<vmem>>[vector<16xi32>, vector<16xi32>], vector<16xi32>, vector<16xi1>
      %all_reduce_population_count3A_156 = tpu.all_reduce %lt3A_130 {dim = 0 : i64, kind = #tpu.reduction_kind<sum>} : vector<16xi1> -> vector<16xi32>
      %add3A_157 = arith.addi %scan3A_121, %all_reduce_population_count3A_156 : vector<16xi32>
      %mul3A_158 = arith.constant 5 : i32
      %mul3A_159 = arith.muli %scan3A_120, %mul3A_158 : i32
      %add3A_160 = arith.constant 1 : i32
      %add3A_161 = arith.addi %mul3A_159, %add3A_160 : i32
      %mul3A_162 = arith.constant 16 : i32
      %mul3A_163 = arith.muli %add3A_161, %mul3A_162 : i32
      %get3A_164 = arith.index_cast %mul3A_163 : i32 to index
      %get3A_165 = tpu.vector_load %arg7[%get3A_164] {strides = array<i32>} : memref<8800xi32, #tpu.memory_space<vmem>>, vector<16xi32>,
      %lt3A_166 = arith.constant 60000 : i32
      %lt3A_167 = vector.broadcast %lt3A_166 : i32 to vector<16xi32>
      %lt3A_168 = arith.cmpi slt, %get3A_165, %lt3A_167 : vector<16xi32>
      %jit3A_169 = arith.constant 1 : i32
      %jit3A_170 = arith.constant 0 : i32
      %broadcast_in_dim3A_171 = vector.broadcast %jit3A_169 : i32 to vector<16xi32>
      %broadcast_in_dim3A_172 = vector.broadcast %jit3A_170 : i32 to vector<16xi32>
      %select_n3A_173 = arith.select %lt3A_168, %broadcast_in_dim3A_171, %broadcast_in_dim3A_172 : vector<16xi1>, vector<16xi32>
      %mul3A_174 = arith.constant 16 : i32
      %mul3A_175 = arith.muli %add3A_161, %mul3A_174 : i32
      %swap3A_176 = arith.index_cast %mul3A_175 : i32 to index
      %swap3A_177 = tpu.vector_load %arg8[%swap3A_176] {strides = array<i32>} : memref<8800xi32, #tpu.memory_space<vmem>>, vector<16xi32>,
      tpu.vector_store %arg8[%swap3A_176], %select_n3A_173 {strides = array<i32>} : memref<8800xi32, #tpu.memory_space<vmem>>, vector<16xi32>,
      %convert_element_type3A_178 = arith.extui %lt3A_168 : vector<16xi1> to vector<16xi32>
      %broadcast_in_dim3A_179 = arith.constant true
      %broadcast_in_dim3A_180 = vector.broadcast %broadcast_in_dim3A_179 : i1 to vector<16xi1>
      %masked_cumsum3A_181 = tpu.scan <sum>, %convert_element_type3A_178 masked %broadcast_in_dim3A_180 : vector<16xi32>, vector<16xi1> -> vector<16xi32>
      %add3A_182 = arith.addi %add3A_157, %masked_cumsum3A_181 : vector<16xi32>
      %sub3A_183 = arith.constant 1 : i32
      %sub3A_184 = vector.broadcast %sub3A_183 : i32 to vector<16xi32>
      %sub3A_185 = arith.subi %add3A_182, %sub3A_184 : vector<16xi32>
      %shift_right_logical3A_186 = arith.constant 7 : i32
      %shift_right_logical3A_187 = vector.broadcast %shift_right_logical3A_186 : i32 to vector<16xi32>
      %shift_right_logical3A_188 = arith.shrui %sub3A_185, %shift_right_logical3A_187 : vector<16xi32>
      %and3A_189 = arith.constant 127 : i32
      %and3A_190 = vector.broadcast %and3A_189 : i32 to vector<16xi32>
      %and3A_191 = arith.andi %sub3A_185, %and3A_190 : vector<16xi32>
      %mul3A_192 = arith.constant 16 : i32
      %mul3A_193 = arith.muli %add3A_161, %mul3A_192 : i32
      %add3A_194 = arith.addi %mul3A_2, %mul3A_193 : i32
      %add3A_195 = vector.broadcast %add3A_194 : i32 to vector<16xi32>
      %add3A_196 = arith.addi %add3A_195, %iota3A : vector<16xi32>
      tpu.vector_store_idx %arg9[%shift_right_logical3A_188, %and3A_191], %add3A_196 masked %lt3A_168 : memref<70x128xi32, #tpu.memory_space<vmem>>[vector<16xi32>, vector<16xi32>], vector<16xi32>, vector<16xi1>
      tpu.vector_store_idx %arg10[%shift_right_logical3A_188, %and3A_191], %get3A_165 masked %lt3A_168 : memref<70x128xi32, #tpu.memory_space<vmem>>[vector<16xi32>, vector<16xi32>], vector<16xi32>, vector<16xi1>
      %all_reduce_population_count3A_197 = tpu.all_reduce %lt3A_168 {dim = 0 : i64, kind = #tpu.reduction_kind<sum>} : vector<16xi1> -> vector<16xi32>
      %add3A_198 = arith.addi %add3A_157, %all_reduce_population_count3A_197 : vector<16xi32>
      %mul3A_199 = arith.constant 5 : i32
      %mul3A_200 = arith.muli %scan3A_120, %mul3A_199 : i32
      %add3A_201 = arith.constant 2 : i32
      %add3A_202 = arith.addi %mul3A_200, %add3A_201 : i32
      %mul3A_203 = arith.constant 16 : i32
      %mul3A_204 = arith.muli %add3A_202, %mul3A_203 : i32
      %get3A_205 = arith.index_cast %mul3A_204 : i32 to index
      %get3A_206 = tpu.vector_load %arg7[%get3A_205] {strides = array<i32>} : memref<8800xi32, #tpu.memory_space<vmem>>, vector<16xi32>,
      %lt3A_207 = arith.constant 60000 : i32
      %lt3A_208 = vector.broadcast %lt3A_207 : i32 to vector<16xi32>
      %lt3A_209 = arith.cmpi slt, %get3A_206, %lt3A_208 : vector<16xi32>
      %jit3A_210 = arith.constant 1 : i32
      %jit3A_211 = arith.constant 0 : i32
      %broadcast_in_dim3A_212 = vector.broadcast %jit3A_210 : i32 to vector<16xi32>
      %broadcast_in_dim3A_213 = vector.broadcast %jit3A_211 : i32 to vector<16xi32>
      %select_n3A_214 = arith.select %lt3A_209, %broadcast_in_dim3A_212, %broadcast_in_dim3A_213 : vector<16xi1>, vector<16xi32>
      %mul3A_215 = arith.constant 16 : i32
      %mul3A_216 = arith.muli %add3A_202, %mul3A_215 : i32
      %swap3A_217 = arith.index_cast %mul3A_216 : i32 to index
      %swap3A_218 = tpu.vector_load %arg8[%swap3A_217] {strides = array<i32>} : memref<8800xi32, #tpu.memory_space<vmem>>, vector<16xi32>,
      tpu.vector_store %arg8[%swap3A_217], %select_n3A_214 {strides = array<i32>} : memref<8800xi32, #tpu.memory_space<vmem>>, vector<16xi32>,
      %convert_element_type3A_219 = arith.extui %lt3A_209 : vector<16xi1> to vector<16xi32>
      %broadcast_in_dim3A_220 = arith.constant true
      %broadcast_in_dim3A_221 = vector.broadcast %broadcast_in_dim3A_220 : i1 to vector<16xi1>
      %masked_cumsum3A_222 = tpu.scan <sum>, %convert_element_type3A_219 masked %broadcast_in_dim3A_221 : vector<16xi32>, vector<16xi1> -> vector<16xi32>
      %add3A_223 = arith.addi %add3A_198, %masked_cumsum3A_222 : vector<16xi32>
      %sub3A_224 = arith.constant 1 : i32
      %sub3A_225 = vector.broadcast %sub3A_224 : i32 to vector<16xi32>
      %sub3A_226 = arith.subi %add3A_223, %sub3A_225 : vector<16xi32>
      %shift_right_logical3A_227 = arith.constant 7 : i32
      %shift_right_logical3A_228 = vector.broadcast %shift_right_logical3A_227 : i32 to vector<16xi32>
      %shift_right_logical3A_229 = arith.shrui %sub3A_226, %shift_right_logical3A_228 : vector<16xi32>
      %and3A_230 = arith.constant 127 : i32
      %and3A_231 = vector.broadcast %and3A_230 : i32 to vector<16xi32>
      %and3A_232 = arith.andi %sub3A_226, %and3A_231 : vector<16xi32>
      %mul3A_233 = arith.constant 16 : i32
      %mul3A_234 = arith.muli %add3A_202, %mul3A_233 : i32
      %add3A_235 = arith.addi %mul3A_2, %mul3A_234 : i32
      %add3A_236 = vector.broadcast %add3A_235 : i32 to vector<16xi32>
      %add3A_237 = arith.addi %add3A_236, %iota3A : vector<16xi32>
      tpu.vector_store_idx %arg9[%shift_right_logical3A_229, %and3A_232], %add3A_237 masked %lt3A_209 : memref<70x128xi32, #tpu.memory_space<vmem>>[vector<16xi32>, vector<16xi32>], vector<16xi32>, vector<16xi1>
      tpu.vector_store_idx %arg10[%shift_right_logical3A_229, %and3A_232], %get3A_206 masked %lt3A_209 : memref<70x128xi32, #tpu.memory_space<vmem>>[vector<16xi32>, vector<16xi32>], vector<16xi32>, vector<16xi1>
      %all_reduce_population_count3A_238 = tpu.all_reduce %lt3A_209 {dim = 0 : i64, kind = #tpu.reduction_kind<sum>} : vector<16xi1> -> vector<16xi32>
      %add3A_239 = arith.addi %add3A_198, %all_reduce_population_count3A_238 : vector<16xi32>
      %mul3A_240 = arith.constant 5 : i32
      %mul3A_241 = arith.muli %scan3A_120, %mul3A_240 : i32
      %add3A_242 = arith.constant 3 : i32
      %add3A_243 = arith.addi %mul3A_241, %add3A_242 : i32
      %mul3A_244 = arith.constant 16 : i32
      %mul3A_245 = arith.muli %add3A_243, %mul3A_244 : i32
      %get3A_246 = arith.index_cast %mul3A_245 : i32 to index
      %get3A_247 = tpu.vector_load %arg7[%get3A_246] {strides = array<i32>} : memref<8800xi32, #tpu.memory_space<vmem>>, vector<16xi32>,
      %lt3A_248 = arith.constant 60000 : i32
      %lt3A_249 = vector.broadcast %lt3A_248 : i32 to vector<16xi32>
      %lt3A_250 = arith.cmpi slt, %get3A_247, %lt3A_249 : vector<16xi32>
      %jit3A_251 = arith.constant 1 : i32
      %jit3A_252 = arith.constant 0 : i32
      %broadcast_in_dim3A_253 = vector.broadcast %jit3A_251 : i32 to vector<16xi32>
      %broadcast_in_dim3A_254 = vector.broadcast %jit3A_252 : i32 to vector<16xi32>
      %select_n3A_255 = arith.select %lt3A_250, %broadcast_in_dim3A_253, %broadcast_in_dim3A_254 : vector<16xi1>, vector<16xi32>
      %mul3A_256 = arith.constant 16 : i32
      %mul3A_257 = arith.muli %add3A_243, %mul3A_256 : i32
      %swap3A_258 = arith.index_cast %mul3A_257 : i32 to index
      %swap3A_259 = tpu.vector_load %arg8[%swap3A_258] {strides = array<i32>} : memref<8800xi32, #tpu.memory_space<vmem>>, vector<16xi32>,
      tpu.vector_store %arg8[%swap3A_258], %select_n3A_255 {strides = array<i32>} : memref<8800xi32, #tpu.memory_space<vmem>>, vector<16xi32>,
      %convert_element_type3A_260 = arith.extui %lt3A_250 : vector<16xi1> to vector<16xi32>
      %broadcast_in_dim3A_261 = arith.constant true
      %broadcast_in_dim3A_262 = vector.broadcast %broadcast_in_dim3A_261 : i1 to vector<16xi1>
      %masked_cumsum3A_263 = tpu.scan <sum>, %convert_element_type3A_260 masked %broadcast_in_dim3A_262 : vector<16xi32>, vector<16xi1> -> vector<16xi32>
      %add3A_264 = arith.addi %add3A_239, %masked_cumsum3A_263 : vector<16xi32>
      %sub3A_265 = arith.constant 1 : i32
      %sub3A_266 = vector.broadcast %sub3A_265 : i32 to vector<16xi32>
      %sub3A_267 = arith.subi %add3A_264, %sub3A_266 : vector<16xi32>
      %shift_right_logical3A_268 = arith.constant 7 : i32
      %shift_right_logical3A_269 = vector.broadcast %shift_right_logical3A_268 : i32 to vector<16xi32>
      %shift_right_logical3A_270 = arith.shrui %sub3A_267, %shift_right_logical3A_269 : vector<16xi32>
      %and3A_271 = arith.constant 127 : i32
      %and3A_272 = vector.broadcast %and3A_271 : i32 to vector<16xi32>
      %and3A_273 = arith.andi %sub3A_267, %and3A_272 : vector<16xi32>
      %mul3A_274 = arith.constant 16 : i32
      %mul3A_275 = arith.muli %add3A_243, %mul3A_274 : i32
      %add3A_276 = arith.addi %mul3A_2, %mul3A_275 : i32
      %add3A_277 = vector.broadcast %add3A_276 : i32 to vector<16xi32>
      %add3A_278 = arith.addi %add3A_277, %iota3A : vector<16xi32>
      tpu.vector_store_idx %arg9[%shift_right_logical3A_270, %and3A_273], %add3A_278 masked %lt3A_250 : memref<70x128xi32, #tpu.memory_space<vmem>>[vector<16xi32>, vector<16xi32>], vector<16xi32>, vector<16xi1>
      tpu.vector_store_idx %arg10[%shift_right_logical3A_270, %and3A_273], %get3A_247 masked %lt3A_250 : memref<70x128xi32, #tpu.memory_space<vmem>>[vector<16xi32>, vector<16xi32>], vector<16xi32>, vector<16xi1>
      %all_reduce_population_count3A_279 = tpu.all_reduce %lt3A_250 {dim = 0 : i64, kind = #tpu.reduction_kind<sum>} : vector<16xi1> -> vector<16xi32>
      %add3A_280 = arith.addi %add3A_239, %all_reduce_population_count3A_279 : vector<16xi32>
      %mul3A_281 = arith.constant 5 : i32
      %mul3A_282 = arith.muli %scan3A_120, %mul3A_281 : i32
      %add3A_283 = arith.constant 4 : i32
      %add3A_284 = arith.addi %mul3A_282, %add3A_283 : i32
      %mul3A_285 = arith.constant 16 : i32
      %mul3A_286 = arith.muli %add3A_284, %mul3A_285 : i32
      %get3A_287 = arith.index_cast %mul3A_286 : i32 to index
      %get3A_288 = tpu.vector_load %arg7[%get3A_287] {strides = array<i32>} : memref<8800xi32, #tpu.memory_space<vmem>>, vector<16xi32>,
      %lt3A_289 = arith.constant 60000 : i32
      %lt3A_290 = vector.broadcast %lt3A_289 : i32 to vector<16xi32>
      %lt3A_291 = arith.cmpi slt, %get3A_288, %lt3A_290 : vector<16xi32>
      %jit3A_292 = arith.constant 1 : i32
      %jit3A_293 = arith.constant 0 : i32
      %broadcast_in_dim3A_294 = vector.broadcast %jit3A_292 : i32 to vector<16xi32>
      %broadcast_in_dim3A_295 = vector.broadcast %jit3A_293 : i32 to vector<16xi32>
      %select_n3A_296 = arith.select %lt3A_291, %broadcast_in_dim3A_294, %broadcast_in_dim3A_295 : vector<16xi1>, vector<16xi32>
      %mul3A_297 = arith.constant 16 : i32
      %mul3A_298 = arith.muli %add3A_284, %mul3A_297 : i32
      %swap3A_299 = arith.index_cast %mul3A_298 : i32 to index
      %swap3A_300 = tpu.vector_load %arg8[%swap3A_299] {strides = array<i32>} : memref<8800xi32, #tpu.memory_space<vmem>>, vector<16xi32>,
      tpu.vector_store %arg8[%swap3A_299], %select_n3A_296 {strides = array<i32>} : memref<8800xi32, #tpu.memory_space<vmem>>, vector<16xi32>,
      %convert_element_type3A_301 = arith.extui %lt3A_291 : vector<16xi1> to vector<16xi32>
      %broadcast_in_dim3A_302 = arith.constant true
      %broadcast_in_dim3A_303 = vector.broadcast %broadcast_in_dim3A_302 : i1 to vector<16xi1>
      %masked_cumsum3A_304 = tpu.scan <sum>, %convert_element_type3A_301 masked %broadcast_in_dim3A_303 : vector<16xi32>, vector<16xi1> -> vector<16xi32>
      %add3A_305 = arith.addi %add3A_280, %masked_cumsum3A_304 : vector<16xi32>
      %sub3A_306 = arith.constant 1 : i32
      %sub3A_307 = vector.broadcast %sub3A_306 : i32 to vector<16xi32>
      %sub3A_308 = arith.subi %add3A_305, %sub3A_307 : vector<16xi32>
      %shift_right_logical3A_309 = arith.constant 7 : i32
      %shift_right_logical3A_310 = vector.broadcast %shift_right_logical3A_309 : i32 to vector<16xi32>
      %shift_right_logical3A_311 = arith.shrui %sub3A_308, %shift_right_logical3A_310 : vector<16xi32>
      %and3A_312 = arith.constant 127 : i32
      %and3A_313 = vector.broadcast %and3A_312 : i32 to vector<16xi32>
      %and3A_314 = arith.andi %sub3A_308, %and3A_313 : vector<16xi32>
      %mul3A_315 = arith.constant 16 : i32
      %mul3A_316 = arith.muli %add3A_284, %mul3A_315 : i32
      %add3A_317 = arith.addi %mul3A_2, %mul3A_316 : i32
      %add3A_318 = vector.broadcast %add3A_317 : i32 to vector<16xi32>
      %add3A_319 = arith.addi %add3A_318, %iota3A : vector<16xi32>
      tpu.vector_store_idx %arg9[%shift_right_logical3A_311, %and3A_314], %add3A_319 masked %lt3A_291 : memref<70x128xi32, #tpu.memory_space<vmem>>[vector<16xi32>, vector<16xi32>], vector<16xi32>, vector<16xi1>
      tpu.vector_store_idx %arg10[%shift_right_logical3A_311, %and3A_314], %get3A_288 masked %lt3A_291 : memref<70x128xi32, #tpu.memory_space<vmem>>[vector<16xi32>, vector<16xi32>], vector<16xi32>, vector<16xi1>
      %all_reduce_population_count3A_320 = tpu.all_reduce %lt3A_291 {dim = 0 : i64, kind = #tpu.reduction_kind<sum>} : vector<16xi1> -> vector<16xi32>
      %add3A_321 = arith.addi %add3A_280, %all_reduce_population_count3A_320 : vector<16xi32>
      scf.yield %add3A_321 : vector<16xi32>
    }
    %scan3A_45 = arith.constant 110 : i32
    "tpu.trace_stop"() : () -> ()
    %reduce_max3A_46 = arith.constant true
    %reduce_max3A_47 = vector.broadcast %reduce_max3A_46 : i1 to vector<16xi1>
    %reduce_max3A_48 = arith.constant -2147483648 : i32
    %reduce_max3A_49 = vector.broadcast %reduce_max3A_48 : i32 to vector<16xi32>
    %reduce_max3A_50 = arith.xori %scan3A_44, %reduce_max3A_49 : vector<16xi32>
    %reduce_max3A_51 = tpu.scan <max>, %reduce_max3A_50 masked %reduce_max3A_47 : vector<16xi32>, vector<16xi1> -> vector<16xi32>
    %reduce_max3A_52 = arith.xori %reduce_max3A_51, %reduce_max3A_49 : vector<16xi32>
    %reduce_max3A_53 = vector.extract %reduce_max3A_52[15] : i32 from vector<16xi32>
    %scan3A_54 = arith.constant 0 : i32
    %scan3A_55 = arith.constant 0 : i32
    %scan3A_56 = arith.constant 8 : i32
    %scan3A_57 = arith.addi %scan3A_55, %scan3A_56 : i32
    %scan3A_58 = arith.constant 1 : i32
    %scan3A_59 = scf.for %scan3A_120 = %scan3A_55 to %scan3A_57 step %scan3A_58 iter_args(%scan3A_121 = %scan3A_54) -> (i32)  : i32 {
      %mul3A_122 = arith.constant 16 : i32
      %mul3A_123 = arith.muli %scan3A_120, %mul3A_122 : i32
      %add3A_124 = arith.addi %reduce_max3A_53, %mul3A_123 : i32
      %add3A_125 = vector.broadcast %add3A_124 : i32 to vector<16xi32>
      %add3A_126 = arith.addi %add3A_125, %iota3A : vector<16xi32>
      %shift_right_logical3A = arith.constant 7 : i32
      %shift_right_logical3A_127 = vector.broadcast %shift_right_logical3A : i32 to vector<16xi32>
      %shift_right_logical3A_128 = arith.shrui %add3A_126, %shift_right_logical3A_127 : vector<16xi32>
      %and3A_129 = arith.constant 127 : i32
      %and3A_130 = vector.broadcast %and3A_129 : i32 to vector<16xi32>
      %and3A_131 = arith.andi %add3A_126, %and3A_130 : vector<16xi32>
      %mul3A_132 = arith.constant 128 : i32
      %mul3A_133 = arith.muli %add3A, %mul3A_132 : i32
      %add3A_134 = arith.constant 281600 : i32
      %add3A_135 = arith.addi %add3A_134, %mul3A_133 : i32
      %mul3A_136 = arith.constant 16 : i32
      %mul3A_137 = arith.muli %scan3A_120, %mul3A_136 : i32
      %add3A_138 = arith.addi %add3A_135, %mul3A_137 : i32
      %add3A_139 = vector.broadcast %add3A_138 : i32 to vector<16xi32>
      %add3A_140 = arith.addi %add3A_139, %iota3A : vector<16xi32>
      tpu.vector_store_idx %arg9[%shift_right_logical3A_128, %and3A_131], %add3A_140 : memref<70x128xi32, #tpu.memory_space<vmem>>[vector<16xi32>, vector<16xi32>], vector<16xi32>,
      %broadcast_in_dim3A_141 = arith.constant 0 : i32
      %broadcast_in_dim3A_142 = vector.broadcast %broadcast_in_dim3A_141 : i32 to vector<16xi32>
      tpu.vector_store_idx %arg10[%shift_right_logical3A_128, %and3A_131], %broadcast_in_dim3A_142 : memref<70x128xi32, #tpu.memory_space<vmem>>[vector<16xi32>, vector<16xi32>], vector<16xi32>,
      %scan3A_143 = arith.constant 0 : i32
      scf.yield %scan3A_143 : i32
    }
    %scan3A_60 = arith.constant 8 : i32
    %add3A_61 = arith.constant 128 : i32
    %add3A_62 = arith.addi %reduce_max3A_53, %add3A_61 : i32
    %sub3A = arith.constant 1 : i32
    %sub3A_63 = arith.subi %add3A_62, %sub3A : i32
    %jit3A = arith.constant 128 : i32
    %div3A = arith.divsi %sub3A_63, %jit3A : i32
    %sign3A = arith.constant 0 : i32
    %sign3A_64 = arith.cmpi sgt, %sub3A_63, %sign3A : i32
    %sign3A_65 = arith.extui %sign3A_64 : i1 to i32
    %sign3A_66 = arith.constant 0 : i32
    %sign3A_67 = arith.cmpi slt, %sub3A_63, %sign3A_66 : i32
    %sign3A_68 = arith.extui %sign3A_67 : i1 to i32
    %sign3A_69 = arith.subi %sign3A_65, %sign3A_68 : i32
    %sign3A_70 = arith.constant 0 : i32
    %sign3A_71 = arith.cmpi sgt, %jit3A, %sign3A_70 : i32
    %sign3A_72 = arith.extui %sign3A_71 : i1 to i32
    %sign3A_73 = arith.constant 0 : i32
    %sign3A_74 = arith.cmpi slt, %jit3A, %sign3A_73 : i32
    %sign3A_75 = arith.extui %sign3A_74 : i1 to i32
    %sign3A_76 = arith.subi %sign3A_72, %sign3A_75 : i32
    %ne3A = arith.cmpi ne, %sign3A_69, %sign3A_76 : i32
    %rem3A_77 = arith.remsi %sub3A_63, %jit3A : i32
    %ne3A_78 = arith.constant 0 : i32
    %ne3A_79 = arith.cmpi ne, %rem3A_77, %ne3A_78 : i32
    %and3A = arith.andi %ne3A, %ne3A_79 : i1
    %sub3A_80 = arith.constant 1 : i32
    %sub3A_81 = arith.subi %div3A, %sub3A_80 : i32
    %select_n3A = arith.select %and3A, %sub3A_81, %div3A : i32
    %min3A = arith.constant 2 : i32
    %min3A_82 = arith.minsi %select_n3A, %min3A : i32
    %while3A = arith.constant 0 : i32
    %while3A_83 = arith.constant 0 : i32
    %while3A_84 = arith.subi %min3A_82, %while3A : i32
    %while3A_85 = arith.addi %while3A, %while3A_84 : i32
    %while3A_86 = arith.constant 1 : i32
    %while3A_87 = arith.divsi %while3A_84, %while3A_86 : i32
    %while3A_88 = arith.muli %while3A_87, %while3A_86 : i32
    %while3A_89 = arith.addi %while3A, %while3A_88 : i32
    %while3A_90 = arith.constant 1 : i32
    %while3A_91 = scf.for %while3A_120 = %while3A to %while3A_89 step %while3A_90 iter_args(%while3A_121 = %while3A_83) -> (i32)  : i32 {
      %rem3A_122 = arith.constant 4 : i32
      %rem3A_123 = arith.remsi %while3A_120, %rem3A_122 : i32
      %dma_start3A_124 = arith.constant 0 : i32
      %dma_start3A_125 = arith.constant 0 : i32
      %dma_start3A_126 = tpu.memref_slice %arg11[%rem3A_123, %dma_start3A_124, %dma_start3A_125] : memref<4x128x128xf32, #tpu.memory_space<vmem>> -> memref<1x128x128xf32, #tpu.memory_space<vmem>>
      %dma_start3A_127 = tpu.memref_squeeze %dma_start3A_126 : memref<1x128x128xf32, #tpu.memory_space<vmem>> -> memref<128x128xf32, #tpu.memory_space<vmem>>
      %dma_start3A_128 = arith.constant 0 : i32
      %dma_start3A_129 = tpu.memref_slice %arg10[%while3A_120, %dma_start3A_128] : memref<70x128xi32, #tpu.memory_space<vmem>> -> memref<1x128xi32, #tpu.memory_space<vmem>>
      %dma_start3A_130 = tpu.memref_squeeze %dma_start3A_129 : memref<1x128xi32, #tpu.memory_space<vmem>> -> memref<128xi32, #tpu.memory_space<vmem>>
      %dma_start3A_131 = arith.constant 0 : i32
      %dma_start3A_132 = arith.constant 0 : i32
      %dma_start3A_133 = tpu.memref_slice %arg3[%dma_start3A_131, %dma_start3A_132] : memref<60000x128xf32, #tpu.memory_space<hbm>> -> memref<60000x128xf32, #tpu.memory_space<hbm>>
      tpu.enqueue_indirect_dma source(%dma_start3A_133 : memref<60000x128xf32, #tpu.memory_space<hbm>>) target(%dma_start3A_127 : memref<128x128xf32, #tpu.memory_space<vmem>>) offsets(%dma_start3A_130 : memref<128xi32, #tpu.memory_space<vmem>>) semaphore(%arg12 : memref<!tpu.dma_semaphore, #tpu.memory_space<semaphore_mem>>)
      %while3A_134 = arith.constant 0 : i32
      scf.yield %while3A_134 : i32
    }
    %while3A_92 = arith.constant 1 : i32
    %while3A_93 = scf.for %while3A_120 = %while3A_89 to %while3A_85 step %while3A_92 iter_args(%while3A_121 = %while3A_91) -> (i32)  : i32 {
      %rem3A_122 = arith.constant 4 : i32
      %rem3A_123 = arith.remsi %while3A_120, %rem3A_122 : i32
      %dma_start3A_124 = arith.constant 0 : i32
      %dma_start3A_125 = arith.constant 0 : i32
      %dma_start3A_126 = tpu.memref_slice %arg11[%rem3A_123, %dma_start3A_124, %dma_start3A_125] : memref<4x128x128xf32, #tpu.memory_space<vmem>> -> memref<1x128x128xf32, #tpu.memory_space<vmem>>
      %dma_start3A_127 = tpu.memref_squeeze %dma_start3A_126 : memref<1x128x128xf32, #tpu.memory_space<vmem>> -> memref<128x128xf32, #tpu.memory_space<vmem>>
      %dma_start3A_128 = arith.constant 0 : i32
      %dma_start3A_129 = tpu.memref_slice %arg10[%while3A_120, %dma_start3A_128] : memref<70x128xi32, #tpu.memory_space<vmem>> -> memref<1x128xi32, #tpu.memory_space<vmem>>
      %dma_start3A_130 = tpu.memref_squeeze %dma_start3A_129 : memref<1x128xi32, #tpu.memory_space<vmem>> -> memref<128xi32, #tpu.memory_space<vmem>>
      %dma_start3A_131 = arith.constant 0 : i32
      %dma_start3A_132 = arith.constant 0 : i32
      %dma_start3A_133 = tpu.memref_slice %arg3[%dma_start3A_131, %dma_start3A_132] : memref<60000x128xf32, #tpu.memory_space<hbm>> -> memref<60000x128xf32, #tpu.memory_space<hbm>>
      tpu.enqueue_indirect_dma source(%dma_start3A_133 : memref<60000x128xf32, #tpu.memory_space<hbm>>) target(%dma_start3A_127 : memref<128x128xf32, #tpu.memory_space<vmem>>) offsets(%dma_start3A_130 : memref<128xi32, #tpu.memory_space<vmem>>) semaphore(%arg12 : memref<!tpu.dma_semaphore, #tpu.memory_space<semaphore_mem>>)
      %while3A_134 = arith.constant 0 : i32
      scf.yield %while3A_134 : i32
    }
    %while3A_94 = arith.constant 0 : i32
    %while3A_95 = arith.constant 0 : i32
    "tpu.trace_start"() <{level = 10 : i32, message = "p4_streams"}> : () -> ()
    %while3A_96 = arith.subi %select_n3A, %while3A_94 : i32
    %while3A_97 = arith.addi %while3A_94, %while3A_96 : i32
    %while3A_98 = arith.constant 1 : i32
    %while3A_99 = arith.divsi %while3A_96, %while3A_98 : i32
    %while3A_100 = arith.muli %while3A_99, %while3A_98 : i32
    %while3A_101 = arith.addi %while3A_94, %while3A_100 : i32
    %while3A_102 = arith.constant 1 : i32
    %while3A_103 = scf.for %while3A_120 = %while3A_94 to %while3A_101 step %while3A_102 iter_args(%while3A_121 = %while3A_95) -> (i32)  : i32 {
      %ge3A = arith.constant 2 : i32
      %ge3A_122 = arith.cmpi sge, %while3A_120, %ge3A : i32
      %convert_element_type3A_123 = arith.extui %ge3A_122 : i1 to i32
      %cond3A_124 = arith.constant 0 : i32
      %cond3A_125 = arith.cmpi ne, %convert_element_type3A_123, %cond3A_124 : i32
      scf.if %cond3A_125 {
        %dma_wait3A_155 = arith.constant 0 : i32
        %dma_wait3A_156 = arith.constant 0 : i32
        %dma_wait3A_157 = arith.constant 0 : i32
        %dma_wait3A_158 = arith.constant 0 : i32
        %dma_wait3A_159 = tpu.memref_slice %arg11[%dma_wait3A_156, %dma_wait3A_157, %dma_wait3A_158] : memref<4x128x128xf32, #tpu.memory_space<vmem>> -> memref<1x128x128xf32, #tpu.memory_space<vmem>>
        %dma_wait3A_160 = tpu.memref_squeeze %dma_wait3A_159 : memref<1x128x128xf32, #tpu.memory_space<vmem>> -> memref<128x128xf32, #tpu.memory_space<vmem>>
        %dma_wait3A_161 = arith.constant 0 : i32
        %dma_wait3A_162 = tpu.memref_slice %arg10[%dma_wait3A_155, %dma_wait3A_161] : memref<70x128xi32, #tpu.memory_space<vmem>> -> memref<1x128xi32, #tpu.memory_space<vmem>>
        %dma_wait3A_163 = tpu.memref_squeeze %dma_wait3A_162 : memref<1x128xi32, #tpu.memory_space<vmem>> -> memref<128xi32, #tpu.memory_space<vmem>>
        %dma_wait3A_164 = arith.constant 0 : i32
        %dma_wait3A_165 = arith.constant 0 : i32
        %dma_wait3A_166 = tpu.memref_slice %arg3[%dma_wait3A_164, %dma_wait3A_165] : memref<60000x128xf32, #tpu.memory_space<hbm>> -> memref<60000x128xf32, #tpu.memory_space<hbm>>
        tpu.wait_indirect_dma semaphore(%arg13 : memref<!tpu.dma_semaphore, #tpu.memory_space<semaphore_mem>>) src(%dma_wait3A_166 : memref<60000x128xf32, #tpu.memory_space<hbm>>) dst(%dma_wait3A_160 : memref<128x128xf32, #tpu.memory_space<vmem>>)
      } else {
      }
      %add3A_126 = arith.constant 2 : i32
      %add3A_127 = arith.addi %while3A_120, %add3A_126 : i32
      %lt3A = arith.cmpi slt, %add3A_127, %select_n3A : i32
      %convert_element_type3A_128 = arith.extui %lt3A : i1 to i32
      %cond3A_129 = arith.constant 0 : i32
      %cond3A_130 = arith.cmpi ne, %convert_element_type3A_128, %cond3A_129 : i32
      scf.if %cond3A_130 {
        %add3A_155 = arith.constant 2 : i32
        %add3A_156 = arith.addi %while3A_120, %add3A_155 : i32
        %rem3A_157 = arith.constant 4 : i32
        %rem3A_158 = arith.remsi %add3A_156, %rem3A_157 : i32
        %dma_start3A_159 = arith.constant 0 : i32
        %dma_start3A_160 = arith.constant 0 : i32
        %dma_start3A_161 = tpu.memref_slice %arg11[%rem3A_158, %dma_start3A_159, %dma_start3A_160] : memref<4x128x128xf32, #tpu.memory_space<vmem>> -> memref<1x128x128xf32, #tpu.memory_space<vmem>>
        %dma_start3A_162 = tpu.memref_squeeze %dma_start3A_161 : memref<1x128x128xf32, #tpu.memory_space<vmem>> -> memref<128x128xf32, #tpu.memory_space<vmem>>
        %dma_start3A_163 = arith.constant 0 : i32
        %dma_start3A_164 = tpu.memref_slice %arg10[%add3A_156, %dma_start3A_163] : memref<70x128xi32, #tpu.memory_space<vmem>> -> memref<1x128xi32, #tpu.memory_space<vmem>>
        %dma_start3A_165 = tpu.memref_squeeze %dma_start3A_164 : memref<1x128xi32, #tpu.memory_space<vmem>> -> memref<128xi32, #tpu.memory_space<vmem>>
        %dma_start3A_166 = arith.constant 0 : i32
        %dma_start3A_167 = arith.constant 0 : i32
        %dma_start3A_168 = tpu.memref_slice %arg3[%dma_start3A_166, %dma_start3A_167] : memref<60000x128xf32, #tpu.memory_space<hbm>> -> memref<60000x128xf32, #tpu.memory_space<hbm>>
        tpu.enqueue_indirect_dma source(%dma_start3A_168 : memref<60000x128xf32, #tpu.memory_space<hbm>>) target(%dma_start3A_162 : memref<128x128xf32, #tpu.memory_space<vmem>>) offsets(%dma_start3A_165 : memref<128xi32, #tpu.memory_space<vmem>>) semaphore(%arg12 : memref<!tpu.dma_semaphore, #tpu.memory_space<semaphore_mem>>)
      } else {
      }
      %dma_wait3A = arith.constant 0 : i32
      %dma_wait3A_131 = arith.constant 0 : i32
      %dma_wait3A_132 = arith.constant 0 : i32
      %dma_wait3A_133 = arith.constant 0 : i32
      %dma_wait3A_134 = tpu.memref_slice %arg11[%dma_wait3A_131, %dma_wait3A_132, %dma_wait3A_133] : memref<4x128x128xf32, #tpu.memory_space<vmem>> -> memref<1x128x128xf32, #tpu.memory_space<vmem>>
      %dma_wait3A_135 = tpu.memref_squeeze %dma_wait3A_134 : memref<1x128x128xf32, #tpu.memory_space<vmem>> -> memref<128x128xf32, #tpu.memory_space<vmem>>
      %dma_wait3A_136 = arith.constant 0 : i32
      %dma_wait3A_137 = tpu.memref_slice %arg10[%dma_wait3A, %dma_wait3A_136] : memref<70x128xi32, #tpu.memory_space<vmem>> -> memref<1x128xi32, #tpu.memory_space<vmem>>
      %dma_wait3A_138 = tpu.memref_squeeze %dma_wait3A_137 : memref<1x128xi32, #tpu.memory_space<vmem>> -> memref<128xi32, #tpu.memory_space<vmem>>
      %dma_wait3A_139 = arith.constant 0 : i32
      %dma_wait3A_140 = arith.constant 0 : i32
      %dma_wait3A_141 = tpu.memref_slice %arg3[%dma_wait3A_139, %dma_wait3A_140] : memref<60000x128xf32, #tpu.memory_space<hbm>> -> memref<60000x128xf32, #tpu.memory_space<hbm>>
      tpu.wait_indirect_dma semaphore(%arg12 : memref<!tpu.dma_semaphore, #tpu.memory_space<semaphore_mem>>) src(%dma_wait3A_141 : memref<60000x128xf32, #tpu.memory_space<hbm>>) dst(%dma_wait3A_135 : memref<128x128xf32, #tpu.memory_space<vmem>>)
      %rem3A_142 = arith.constant 4 : i32
      %rem3A_143 = arith.remsi %while3A_120, %rem3A_142 : i32
      %dma_start3A_144 = arith.constant 0 : i32
      %dma_start3A_145 = arith.constant 0 : i32
      %dma_start3A_146 = tpu.memref_slice %arg11[%rem3A_143, %dma_start3A_144, %dma_start3A_145] : memref<4x128x128xf32, #tpu.memory_space<vmem>> -> memref<1x128x128xf32, #tpu.memory_space<vmem>>
      %dma_start3A_147 = tpu.memref_squeeze %dma_start3A_146 : memref<1x128x128xf32, #tpu.memory_space<vmem>> -> memref<128x128xf32, #tpu.memory_space<vmem>>
      %dma_start3A_148 = arith.constant 0 : i32
      %dma_start3A_149 = tpu.memref_slice %arg9[%while3A_120, %dma_start3A_148] : memref<70x128xi32, #tpu.memory_space<vmem>> -> memref<1x128xi32, #tpu.memory_space<vmem>>
      %dma_start3A_150 = tpu.memref_squeeze %dma_start3A_149 : memref<1x128xi32, #tpu.memory_space<vmem>> -> memref<128xi32, #tpu.memory_space<vmem>>
      %dma_start3A_151 = arith.constant 0 : i32
      %dma_start3A_152 = arith.constant 0 : i32
      %dma_start3A_153 = tpu.memref_slice %arg4[%dma_start3A_151, %dma_start3A_152] : memref<285696x128xf32, #tpu.memory_space<hbm>> -> memref<285696x128xf32, #tpu.memory_space<hbm>>
      tpu.enqueue_indirect_dma source(%dma_start3A_147 : memref<128x128xf32, #tpu.memory_space<vmem>>) target(%dma_start3A_153 : memref<285696x128xf32, #tpu.memory_space<hbm>>) offsets(%dma_start3A_150 : memref<128xi32, #tpu.memory_space<vmem>>) semaphore(%arg13 : memref<!tpu.dma_semaphore, #tpu.memory_space<semaphore_mem>>)
      %while3A_154 = arith.constant 0 : i32
      scf.yield %while3A_154 : i32
    }
    %while3A_104 = arith.constant 1 : i32
    %while3A_105 = scf.for %while3A_120 = %while3A_101 to %while3A_97 step %while3A_104 iter_args(%while3A_121 = %while3A_103) -> (i32)  : i32 {
      %ge3A = arith.constant 2 : i32
      %ge3A_122 = arith.cmpi sge, %while3A_120, %ge3A : i32
      %convert_element_type3A_123 = arith.extui %ge3A_122 : i1 to i32
      %cond3A_124 = arith.constant 0 : i32
      %cond3A_125 = arith.cmpi ne, %convert_element_type3A_123, %cond3A_124 : i32
      scf.if %cond3A_125 {
        %dma_wait3A_155 = arith.constant 0 : i32
        %dma_wait3A_156 = arith.constant 0 : i32
        %dma_wait3A_157 = arith.constant 0 : i32
        %dma_wait3A_158 = arith.constant 0 : i32
        %dma_wait3A_159 = tpu.memref_slice %arg11[%dma_wait3A_156, %dma_wait3A_157, %dma_wait3A_158] : memref<4x128x128xf32, #tpu.memory_space<vmem>> -> memref<1x128x128xf32, #tpu.memory_space<vmem>>
        %dma_wait3A_160 = tpu.memref_squeeze %dma_wait3A_159 : memref<1x128x128xf32, #tpu.memory_space<vmem>> -> memref<128x128xf32, #tpu.memory_space<vmem>>
        %dma_wait3A_161 = arith.constant 0 : i32
        %dma_wait3A_162 = tpu.memref_slice %arg10[%dma_wait3A_155, %dma_wait3A_161] : memref<70x128xi32, #tpu.memory_space<vmem>> -> memref<1x128xi32, #tpu.memory_space<vmem>>
        %dma_wait3A_163 = tpu.memref_squeeze %dma_wait3A_162 : memref<1x128xi32, #tpu.memory_space<vmem>> -> memref<128xi32, #tpu.memory_space<vmem>>
        %dma_wait3A_164 = arith.constant 0 : i32
        %dma_wait3A_165 = arith.constant 0 : i32
        %dma_wait3A_166 = tpu.memref_slice %arg3[%dma_wait3A_164, %dma_wait3A_165] : memref<60000x128xf32, #tpu.memory_space<hbm>> -> memref<60000x128xf32, #tpu.memory_space<hbm>>
        tpu.wait_indirect_dma semaphore(%arg13 : memref<!tpu.dma_semaphore, #tpu.memory_space<semaphore_mem>>) src(%dma_wait3A_166 : memref<60000x128xf32, #tpu.memory_space<hbm>>) dst(%dma_wait3A_160 : memref<128x128xf32, #tpu.memory_space<vmem>>)
      } else {
      }
      %add3A_126 = arith.constant 2 : i32
      %add3A_127 = arith.addi %while3A_120, %add3A_126 : i32
      %lt3A = arith.cmpi slt, %add3A_127, %select_n3A : i32
      %convert_element_type3A_128 = arith.extui %lt3A : i1 to i32
      %cond3A_129 = arith.constant 0 : i32
      %cond3A_130 = arith.cmpi ne, %convert_element_type3A_128, %cond3A_129 : i32
      scf.if %cond3A_130 {
        %add3A_155 = arith.constant 2 : i32
        %add3A_156 = arith.addi %while3A_120, %add3A_155 : i32
        %rem3A_157 = arith.constant 4 : i32
        %rem3A_158 = arith.remsi %add3A_156, %rem3A_157 : i32
        %dma_start3A_159 = arith.constant 0 : i32
        %dma_start3A_160 = arith.constant 0 : i32
        %dma_start3A_161 = tpu.memref_slice %arg11[%rem3A_158, %dma_start3A_159, %dma_start3A_160] : memref<4x128x128xf32, #tpu.memory_space<vmem>> -> memref<1x128x128xf32, #tpu.memory_space<vmem>>
        %dma_start3A_162 = tpu.memref_squeeze %dma_start3A_161 : memref<1x128x128xf32, #tpu.memory_space<vmem>> -> memref<128x128xf32, #tpu.memory_space<vmem>>
        %dma_start3A_163 = arith.constant 0 : i32
        %dma_start3A_164 = tpu.memref_slice %arg10[%add3A_156, %dma_start3A_163] : memref<70x128xi32, #tpu.memory_space<vmem>> -> memref<1x128xi32, #tpu.memory_space<vmem>>
        %dma_start3A_165 = tpu.memref_squeeze %dma_start3A_164 : memref<1x128xi32, #tpu.memory_space<vmem>> -> memref<128xi32, #tpu.memory_space<vmem>>
        %dma_start3A_166 = arith.constant 0 : i32
        %dma_start3A_167 = arith.constant 0 : i32
        %dma_start3A_168 = tpu.memref_slice %arg3[%dma_start3A_166, %dma_start3A_167] : memref<60000x128xf32, #tpu.memory_space<hbm>> -> memref<60000x128xf32, #tpu.memory_space<hbm>>
        tpu.enqueue_indirect_dma source(%dma_start3A_168 : memref<60000x128xf32, #tpu.memory_space<hbm>>) target(%dma_start3A_162 : memref<128x128xf32, #tpu.memory_space<vmem>>) offsets(%dma_start3A_165 : memref<128xi32, #tpu.memory_space<vmem>>) semaphore(%arg12 : memref<!tpu.dma_semaphore, #tpu.memory_space<semaphore_mem>>)
      } else {
      }
      %dma_wait3A = arith.constant 0 : i32
      %dma_wait3A_131 = arith.constant 0 : i32
      %dma_wait3A_132 = arith.constant 0 : i32
      %dma_wait3A_133 = arith.constant 0 : i32
      %dma_wait3A_134 = tpu.memref_slice %arg11[%dma_wait3A_131, %dma_wait3A_132, %dma_wait3A_133] : memref<4x128x128xf32, #tpu.memory_space<vmem>> -> memref<1x128x128xf32, #tpu.memory_space<vmem>>
      %dma_wait3A_135 = tpu.memref_squeeze %dma_wait3A_134 : memref<1x128x128xf32, #tpu.memory_space<vmem>> -> memref<128x128xf32, #tpu.memory_space<vmem>>
      %dma_wait3A_136 = arith.constant 0 : i32
      %dma_wait3A_137 = tpu.memref_slice %arg10[%dma_wait3A, %dma_wait3A_136] : memref<70x128xi32, #tpu.memory_space<vmem>> -> memref<1x128xi32, #tpu.memory_space<vmem>>
      %dma_wait3A_138 = tpu.memref_squeeze %dma_wait3A_137 : memref<1x128xi32, #tpu.memory_space<vmem>> -> memref<128xi32, #tpu.memory_space<vmem>>
      %dma_wait3A_139 = arith.constant 0 : i32
      %dma_wait3A_140 = arith.constant 0 : i32
      %dma_wait3A_141 = tpu.memref_slice %arg3[%dma_wait3A_139, %dma_wait3A_140] : memref<60000x128xf32, #tpu.memory_space<hbm>> -> memref<60000x128xf32, #tpu.memory_space<hbm>>
      tpu.wait_indirect_dma semaphore(%arg12 : memref<!tpu.dma_semaphore, #tpu.memory_space<semaphore_mem>>) src(%dma_wait3A_141 : memref<60000x128xf32, #tpu.memory_space<hbm>>) dst(%dma_wait3A_135 : memref<128x128xf32, #tpu.memory_space<vmem>>)
      %rem3A_142 = arith.constant 4 : i32
      %rem3A_143 = arith.remsi %while3A_120, %rem3A_142 : i32
      %dma_start3A_144 = arith.constant 0 : i32
      %dma_start3A_145 = arith.constant 0 : i32
      %dma_start3A_146 = tpu.memref_slice %arg11[%rem3A_143, %dma_start3A_144, %dma_start3A_145] : memref<4x128x128xf32, #tpu.memory_space<vmem>> -> memref<1x128x128xf32, #tpu.memory_space<vmem>>
      %dma_start3A_147 = tpu.memref_squeeze %dma_start3A_146 : memref<1x128x128xf32, #tpu.memory_space<vmem>> -> memref<128x128xf32, #tpu.memory_space<vmem>>
      %dma_start3A_148 = arith.constant 0 : i32
      %dma_start3A_149 = tpu.memref_slice %arg9[%while3A_120, %dma_start3A_148] : memref<70x128xi32, #tpu.memory_space<vmem>> -> memref<1x128xi32, #tpu.memory_space<vmem>>
      %dma_start3A_150 = tpu.memref_squeeze %dma_start3A_149 : memref<1x128xi32, #tpu.memory_space<vmem>> -> memref<128xi32, #tpu.memory_space<vmem>>
      %dma_start3A_151 = arith.constant 0 : i32
      %dma_start3A_152 = arith.constant 0 : i32
      %dma_start3A_153 = tpu.memref_slice %arg4[%dma_start3A_151, %dma_start3A_152] : memref<285696x128xf32, #tpu.memory_space<hbm>> -> memref<285696x128xf32, #tpu.memory_space<hbm>>
      tpu.enqueue_indirect_dma source(%dma_start3A_147 : memref<128x128xf32, #tpu.memory_space<vmem>>) target(%dma_start3A_153 : memref<285696x128xf32, #tpu.memory_space<hbm>>) offsets(%dma_start3A_150 : memref<128xi32, #tpu.memory_space<vmem>>) semaphore(%arg13 : memref<!tpu.dma_semaphore, #tpu.memory_space<semaphore_mem>>)
      %while3A_154 = arith.constant 0 : i32
      scf.yield %while3A_154 : i32
    }
    "tpu.trace_stop"() : () -> ()
    %min3A_106 = arith.constant 2 : i32
    %min3A_107 = arith.minsi %select_n3A, %min3A_106 : i32
    %while3A_108 = arith.constant 0 : i32
    %while3A_109 = arith.constant 0 : i32
    %while3A_110 = arith.subi %min3A_107, %while3A_108 : i32
    %while3A_111 = arith.addi %while3A_108, %while3A_110 : i32
    %while3A_112 = arith.constant 1 : i32
    %while3A_113 = arith.divsi %while3A_110, %while3A_112 : i32
    %while3A_114 = arith.muli %while3A_113, %while3A_112 : i32
    %while3A_115 = arith.addi %while3A_108, %while3A_114 : i32
    %while3A_116 = arith.constant 1 : i32
    %while3A_117 = scf.for %while3A_120 = %while3A_108 to %while3A_115 step %while3A_116 iter_args(%while3A_121 = %while3A_109) -> (i32)  : i32 {
      %dma_wait3A = arith.constant 0 : i32
      %dma_wait3A_122 = arith.constant 0 : i32
      %dma_wait3A_123 = arith.constant 0 : i32
      %dma_wait3A_124 = arith.constant 0 : i32
      %dma_wait3A_125 = tpu.memref_slice %arg11[%dma_wait3A_122, %dma_wait3A_123, %dma_wait3A_124] : memref<4x128x128xf32, #tpu.memory_space<vmem>> -> memref<1x128x128xf32, #tpu.memory_space<vmem>>
      %dma_wait3A_126 = tpu.memref_squeeze %dma_wait3A_125 : memref<1x128x128xf32, #tpu.memory_space<vmem>> -> memref<128x128xf32, #tpu.memory_space<vmem>>
      %dma_wait3A_127 = arith.constant 0 : i32
      %dma_wait3A_128 = tpu.memref_slice %arg10[%dma_wait3A, %dma_wait3A_127] : memref<70x128xi32, #tpu.memory_space<vmem>> -> memref<1x128xi32, #tpu.memory_space<vmem>>
      %dma_wait3A_129 = tpu.memref_squeeze %dma_wait3A_128 : memref<1x128xi32, #tpu.memory_space<vmem>> -> memref<128xi32, #tpu.memory_space<vmem>>
      %dma_wait3A_130 = arith.constant 0 : i32
      %dma_wait3A_131 = arith.constant 0 : i32
      %dma_wait3A_132 = tpu.memref_slice %arg3[%dma_wait3A_130, %dma_wait3A_131] : memref<60000x128xf32, #tpu.memory_space<hbm>> -> memref<60000x128xf32, #tpu.memory_space<hbm>>
      tpu.wait_indirect_dma semaphore(%arg13 : memref<!tpu.dma_semaphore, #tpu.memory_space<semaphore_mem>>) src(%dma_wait3A_132 : memref<60000x128xf32, #tpu.memory_space<hbm>>) dst(%dma_wait3A_126 : memref<128x128xf32, #tpu.memory_space<vmem>>)
      %while3A_133 = arith.constant 0 : i32
      scf.yield %while3A_133 : i32
    }
    %while3A_118 = arith.constant 1 : i32
    %while3A_119 = scf.for %while3A_120 = %while3A_115 to %while3A_111 step %while3A_118 iter_args(%while3A_121 = %while3A_117) -> (i32)  : i32 {
      %dma_wait3A = arith.constant 0 : i32
      %dma_wait3A_122 = arith.constant 0 : i32
      %dma_wait3A_123 = arith.constant 0 : i32
      %dma_wait3A_124 = arith.constant 0 : i32
      %dma_wait3A_125 = tpu.memref_slice %arg11[%dma_wait3A_122, %dma_wait3A_123, %dma_wait3A_124] : memref<4x128x128xf32, #tpu.memory_space<vmem>> -> memref<1x128x128xf32, #tpu.memory_space<vmem>>
      %dma_wait3A_126 = tpu.memref_squeeze %dma_wait3A_125 : memref<1x128x128xf32, #tpu.memory_space<vmem>> -> memref<128x128xf32, #tpu.memory_space<vmem>>
      %dma_wait3A_127 = arith.constant 0 : i32
      %dma_wait3A_128 = tpu.memref_slice %arg10[%dma_wait3A, %dma_wait3A_127] : memref<70x128xi32, #tpu.memory_space<vmem>> -> memref<1x128xi32, #tpu.memory_space<vmem>>
      %dma_wait3A_129 = tpu.memref_squeeze %dma_wait3A_128 : memref<1x128xi32, #tpu.memory_space<vmem>> -> memref<128xi32, #tpu.memory_space<vmem>>
      %dma_wait3A_130 = arith.constant 0 : i32
      %dma_wait3A_131 = arith.constant 0 : i32
      %dma_wait3A_132 = tpu.memref_slice %arg3[%dma_wait3A_130, %dma_wait3A_131] : memref<60000x128xf32, #tpu.memory_space<hbm>> -> memref<60000x128xf32, #tpu.memory_space<hbm>>
      tpu.wait_indirect_dma semaphore(%arg13 : memref<!tpu.dma_semaphore, #tpu.memory_space<semaphore_mem>>) src(%dma_wait3A_132 : memref<60000x128xf32, #tpu.memory_space<hbm>>) dst(%dma_wait3A_126 : memref<128x128xf32, #tpu.memory_space<vmem>>)
      %while3A_133 = arith.constant 0 : i32
      scf.yield %while3A_133 : i32
    }
    "tpu.trace_start"() <{level = 10 : i32, message = "p5_valid"}> : () -> ()
    "tpu.region"() ({
      %run_scoped3A = tpu.sem_alloc : memref<!tpu.dma_semaphore, #tpu.memory_space<semaphore_mem>>
      %dma_start3A_120 = tpu.memref_slice %arg5[%mul3A_2] : memref<281600xi32, #tpu.memory_space<hbm>> -> memref<8800xi32, #tpu.memory_space<hbm>>
      %dma_start3A_121 = tpu.memref_slice %arg5[%mul3A_2] : memref<281600xi32, #tpu.memory_space<hbm>> -> memref<8800xi32, #tpu.memory_space<hbm>>
      tpu.enqueue_dma source(%arg8 : memref<8800xi32, #tpu.memory_space<vmem>>) target(%dma_start3A_121 : memref<8800xi32, #tpu.memory_space<hbm>>) target_semaphore(%run_scoped3A : memref<!tpu.dma_semaphore, #tpu.memory_space<semaphore_mem>>)
      %dma_wait3A = tpu.memref_slice %arg5[%mul3A_2] : memref<281600xi32, #tpu.memory_space<hbm>> -> memref<8800xi32, #tpu.memory_space<hbm>>
      %dma_wait3A_122 = tpu.memref_slice %arg5[%mul3A_2] : memref<281600xi32, #tpu.memory_space<hbm>> -> memref<8800xi32, #tpu.memory_space<hbm>>
      tpu.wait_dma2 semaphore(%run_scoped3A : memref<!tpu.dma_semaphore, #tpu.memory_space<semaphore_mem>>) src(%arg8 : memref<8800xi32, #tpu.memory_space<vmem>>) dst(%dma_wait3A_122 : memref<8800xi32, #tpu.memory_space<hbm>>)
      tpu.yield
    }) : () -> ()
    "tpu.trace_stop"() : () -> ()
    return
  }
}

module attributes {stable_mosaic.version = 14 : i64} {
  func.func @_il_body(%arg0: i32, %arg1: i32, %arg2: memref<1408x128xf32, #tpu.memory_space<vmem>>, %arg3: memref<1408x128xf32, #tpu.memory_space<vmem>>, %arg4: memref<1x11x128xi32, #tpu.memory_space<vmem>>, %arg5: memref<1x11x128xi32, #tpu.memory_space<vmem>>, %arg6: memref<1408x256xf32, #tpu.memory_space<vmem>>) attributes {dimension_semantics = [#tpu.dimension_semantics<arbitrary>, #tpu.dimension_semantics<arbitrary>], iteration_bounds = array<i64: 4, 25>, scalar_prefetch = 0 : i64, scratch_operands = 0 : i64, tpu.core_type = #tpu.core_type<tc>, window_params = [{transform_indices = @transform_0, window_bounds = array<i64: 1408, 128>}, {transform_indices = @transform_1, window_bounds = array<i64: 1408, 128>}, {transform_indices = @transform_2, window_bounds = array<i64: 1, 11, 128>}, {transform_indices = @transform_3, window_bounds = array<i64: 1, 11, 128>}, {transform_indices = @transform_4, window_bounds = array<i64: 1408, 256>}]} {
    %get3A = arith.constant 0 : index
    %get3A_0 = arith.constant 0 : index
    %get3A_1 = vector.load %arg2[%get3A, %get3A_0] : memref<1408x128xf32, #tpu.memory_space<vmem>>, vector<1408x128xf32>
    %get3A_2 = arith.constant 0 : index
    %get3A_3 = arith.constant 0 : index
    %get3A_4 = vector.load %arg3[%get3A_2, %get3A_3] : memref<1408x128xf32, #tpu.memory_space<vmem>>, vector<1408x128xf32>
    %get3A_5 = arith.constant 0 : index
    %get3A_6 = arith.constant 0 : index
    %get3A_7 = arith.constant 0 : index
    %get3A_8 = vector.load %arg4[%get3A_5, %get3A_6, %get3A_7] : memref<1x11x128xi32, #tpu.memory_space<vmem>>, vector<1x11x128xi32>
    %reshape3A = vector.shape_cast %get3A_8 : vector<1x11x128xi32> to vector<1408xi32>
    %ne3A = arith.constant 0 : i32
    %ne3A_9 = vector.broadcast %ne3A : i32 to vector<1408xi32>
    %ne3A_10 = arith.cmpi ne, %reshape3A, %ne3A_9 : vector<1408xi32>
    %convert_element_type3A = arith.extui %ne3A_10 : vector<1408xi1> to vector<1408xi32>
    %convert_element_type3A_11 = arith.sitofp %convert_element_type3A : vector<1408xi32> to vector<1408xf32>
    %broadcast_in_dim3A = vector.shape_cast %convert_element_type3A_11 : vector<1408xf32> to vector<1408x1xf32>
    %get3A_12 = arith.constant 0 : index
    %get3A_13 = arith.constant 0 : index
    %get3A_14 = arith.constant 0 : index
    %get3A_15 = vector.load %arg5[%get3A_12, %get3A_13, %get3A_14] : memref<1x11x128xi32, #tpu.memory_space<vmem>>, vector<1x11x128xi32>
    %reshape3A_16 = vector.shape_cast %get3A_15 : vector<1x11x128xi32> to vector<1408xi32>
    %ne3A_17 = arith.constant 0 : i32
    %ne3A_18 = vector.broadcast %ne3A_17 : i32 to vector<1408xi32>
    %ne3A_19 = arith.cmpi ne, %reshape3A_16, %ne3A_18 : vector<1408xi32>
    %convert_element_type3A_20 = arith.extui %ne3A_19 : vector<1408xi1> to vector<1408xi32>
    %convert_element_type3A_21 = arith.sitofp %convert_element_type3A_20 : vector<1408xi32> to vector<1408xf32>
    %broadcast_in_dim3A_22 = vector.shape_cast %convert_element_type3A_21 : vector<1408xf32> to vector<1408x1xf32>
    %iota3A = tpu.iota {dimensions = array<i32: 0>} : vector<128x256xi32>
    %iota3A_23 = tpu.iota {dimensions = array<i32: 1>} : vector<128x256xi32>
    %mul3A = arith.constant 2 : i32
    %mul3A_24 = vector.broadcast %mul3A : i32 to vector<128x256xi32>
    %mul3A_25 = arith.muli %mul3A_24, %iota3A : vector<128x256xi32>
    %eq3A = arith.cmpi eq, %iota3A_23, %mul3A_25 : vector<128x256xi32>
    %convert_element_type3A_26 = arith.extui %eq3A : vector<128x256xi1> to vector<128x256xi32>
    %convert_element_type3A_27 = arith.sitofp %convert_element_type3A_26 : vector<128x256xi32> to vector<128x256xf32>
    %convert_element_type3A_28 = arith.truncf %convert_element_type3A_27 : vector<128x256xf32> to vector<128x256xbf16>
    %mul3A_29 = arith.constant 2 : i32
    %mul3A_30 = vector.broadcast %mul3A_29 : i32 to vector<128x256xi32>
    %mul3A_31 = arith.muli %mul3A_30, %iota3A : vector<128x256xi32>
    %add3A = arith.constant 1 : i32
    %add3A_32 = vector.broadcast %add3A : i32 to vector<128x256xi32>
    %add3A_33 = arith.addi %mul3A_31, %add3A_32 : vector<128x256xi32>
    %eq3A_34 = arith.cmpi eq, %iota3A_23, %add3A_33 : vector<128x256xi32>
    %convert_element_type3A_35 = arith.extui %eq3A_34 : vector<128x256xi1> to vector<128x256xi32>
    %convert_element_type3A_36 = arith.sitofp %convert_element_type3A_35 : vector<128x256xi32> to vector<128x256xf32>
    %convert_element_type3A_37 = arith.truncf %convert_element_type3A_36 : vector<128x256xf32> to vector<128x256xbf16>
    %mul3A_38 = vector.broadcast %broadcast_in_dim3A : vector<1408x1xf32> to vector<1408x128xf32>
    %mul3A_39 = arith.mulf %get3A_1, %mul3A_38 : vector<1408x128xf32>
    %convert_element_type3A_40 = arith.truncf %mul3A_39 : vector<1408x128xf32> to vector<1408x128xbf16>
    %convert_element_type3A_41 = arith.extf %convert_element_type3A_40 : vector<1408x128xbf16> to vector<1408x128xf32>
    %sub3A = arith.subf %mul3A_39, %convert_element_type3A_41 : vector<1408x128xf32>
    %convert_element_type3A_42 = arith.truncf %sub3A : vector<1408x128xf32> to vector<1408x128xbf16>
    %dot_general3A = arith.constant dense<0.000000e+00> : vector<1408x256xf32>
    %dot_general3A_43 = tpu.matmul %convert_element_type3A_40, %convert_element_type3A_28, %dot_general3A {dimension_numbers = #tpu.dot_dimension_numbers<[1], [0], [0], [1], [0, 0, 1, 1], [], []>, transpose_lhs_hint = false} : vector<1408x128xbf16>, vector<128x256xbf16>, vector<1408x256xf32> -> vector<1408x256xf32>
    %dot_general3A_44 = arith.constant dense<0.000000e+00> : vector<1408x256xf32>
    %dot_general3A_45 = tpu.matmul %convert_element_type3A_42, %convert_element_type3A_28, %dot_general3A_44 {dimension_numbers = #tpu.dot_dimension_numbers<[1], [0], [0], [1], [0, 0, 1, 1], [], []>, transpose_lhs_hint = false} : vector<1408x128xbf16>, vector<128x256xbf16>, vector<1408x256xf32> -> vector<1408x256xf32>
    %add3A_46 = arith.addf %dot_general3A_43, %dot_general3A_45 : vector<1408x256xf32>
    %mul3A_47 = vector.broadcast %broadcast_in_dim3A_22 : vector<1408x1xf32> to vector<1408x128xf32>
    %mul3A_48 = arith.mulf %get3A_4, %mul3A_47 : vector<1408x128xf32>
    %convert_element_type3A_49 = arith.truncf %mul3A_48 : vector<1408x128xf32> to vector<1408x128xbf16>
    %convert_element_type3A_50 = arith.extf %convert_element_type3A_49 : vector<1408x128xbf16> to vector<1408x128xf32>
    %sub3A_51 = arith.subf %mul3A_48, %convert_element_type3A_50 : vector<1408x128xf32>
    %convert_element_type3A_52 = arith.truncf %sub3A_51 : vector<1408x128xf32> to vector<1408x128xbf16>
    %dot_general3A_53 = arith.constant dense<0.000000e+00> : vector<1408x256xf32>
    %dot_general3A_54 = tpu.matmul %convert_element_type3A_49, %convert_element_type3A_37, %dot_general3A_53 {dimension_numbers = #tpu.dot_dimension_numbers<[1], [0], [0], [1], [0, 0, 1, 1], [], []>, transpose_lhs_hint = false} : vector<1408x128xbf16>, vector<128x256xbf16>, vector<1408x256xf32> -> vector<1408x256xf32>
    %dot_general3A_55 = arith.constant dense<0.000000e+00> : vector<1408x256xf32>
    %dot_general3A_56 = tpu.matmul %convert_element_type3A_52, %convert_element_type3A_37, %dot_general3A_55 {dimension_numbers = #tpu.dot_dimension_numbers<[1], [0], [0], [1], [0, 0, 1, 1], [], []>, transpose_lhs_hint = false} : vector<1408x128xbf16>, vector<128x256xbf16>, vector<1408x256xf32> -> vector<1408x256xf32>
    %add3A_57 = arith.addf %dot_general3A_54, %dot_general3A_56 : vector<1408x256xf32>
    %add3A_58 = arith.addf %add3A_46, %add3A_57 : vector<1408x256xf32>
    %swap3A = arith.constant 0 : index
    %swap3A_59 = arith.constant 0 : index
    %swap3A_60 = vector.load %arg6[%swap3A, %swap3A_59] : memref<1408x256xf32, #tpu.memory_space<vmem>>, vector<1408x256xf32>
    tpu.vector_store %arg6[%swap3A, %swap3A_59], %add3A_58 {strides = array<i32>} : memref<1408x256xf32, #tpu.memory_space<vmem>>, vector<1408x256xf32>,
    return
  }
  func.func @transform_0(%arg0: i32, %arg1: i32) -> (i32, i32) {
    %mul3A = arith.constant 2 : i32
    %mul3A_0 = arith.muli %mul3A, %arg0 : i32
    %mul3A_1 = arith.constant 25 : i32
    %mul3A_2 = arith.muli %mul3A_0, %mul3A_1 : i32
    %add3A = arith.addi %mul3A_2, %arg1 : i32
    %c0_i32 = arith.constant 0 : i32
    %c0_i32_3 = arith.constant 0 : i32
    return %add3A, %c0_i32 : i32, i32
  }
  func.func @transform_1(%arg0: i32, %arg1: i32) -> (i32, i32) {
    %mul3A = arith.constant 2 : i32
    %mul3A_0 = arith.muli %mul3A, %arg0 : i32
    %add3A = arith.constant 1 : i32
    %add3A_1 = arith.addi %mul3A_0, %add3A : i32
    %mul3A_2 = arith.constant 25 : i32
    %mul3A_3 = arith.muli %add3A_1, %mul3A_2 : i32
    %add3A_4 = arith.addi %mul3A_3, %arg1 : i32
    %c0_i32 = arith.constant 0 : i32
    %c0_i32_5 = arith.constant 0 : i32
    return %add3A_4, %c0_i32 : i32, i32
  }
  func.func @transform_2(%arg0: i32, %arg1: i32) -> (i32, i32, i32) {
    %mul3A = arith.constant 2 : i32
    %mul3A_0 = arith.muli %mul3A, %arg0 : i32
    %mul3A_1 = arith.constant 25 : i32
    %mul3A_2 = arith.muli %mul3A_0, %mul3A_1 : i32
    %add3A = arith.addi %mul3A_2, %arg1 : i32
    %c0_i32 = arith.constant 0 : i32
    %c0_i32_3 = arith.constant 0 : i32
    %c0_i32_4 = arith.constant 0 : i32
    return %add3A, %c0_i32, %c0_i32_3 : i32, i32, i32
  }
  func.func @transform_3(%arg0: i32, %arg1: i32) -> (i32, i32, i32) {
    %mul3A = arith.constant 2 : i32
    %mul3A_0 = arith.muli %mul3A, %arg0 : i32
    %add3A = arith.constant 1 : i32
    %add3A_1 = arith.addi %mul3A_0, %add3A : i32
    %mul3A_2 = arith.constant 25 : i32
    %mul3A_3 = arith.muli %add3A_1, %mul3A_2 : i32
    %add3A_4 = arith.addi %mul3A_3, %arg1 : i32
    %c0_i32 = arith.constant 0 : i32
    %c0_i32_5 = arith.constant 0 : i32
    %c0_i32_6 = arith.constant 0 : i32
    return %add3A_4, %c0_i32, %c0_i32_5 : i32, i32, i32
  }
  func.func @transform_4(%arg0: i32, %arg1: i32) -> (i32, i32) {
    %mul3A = arith.constant 25 : i32
    %mul3A_0 = arith.muli %arg0, %mul3A : i32
    %add3A = arith.addi %mul3A_0, %arg1 : i32
    %c0_i32 = arith.constant 0 : i32
    %c0_i32_1 = arith.constant 0 : i32
    return %add3A, %c0_i32 : i32, i32
  }
}

</mosaic_0001>

<sc_bundles>
// kernel: kernel.4.cloned.1.call-start
scs
__scs_entry_jumppad:
0x0: {  	(pc) =	sbr.rel $0x88, $3  }
0x1: {  	(tag) =	ssettag $0x0;
	lr =	simm.s32 $0x1  }
0x2: {  	[smem:$0x3F9F] =	sst lr;
	_ =	strace $0xD0000000  }
0x3: {  	_ = 	snop  }
0x4: {  	_ = 	snop  }
0x5: {  	_ = 	snop  }
0x6: {  	_ = 	snop  }
0x7: {  	_ = 	snop  }
__scs_overlays_trampoline_lowered:
0x8: {  	[smem:$0x3FAE] =	sst s0  }
0x9: {  	[smem:$0x3FAF] =	sst s1  }
0xa: {  	[smem:$0x3FB0] =	sst s2  }
0xb: {  	[smem:$0x3FB1] =	sst s3  }
0xc: {  	[smem:$0x3FB2] =	sst s4  }
0xd: {  	[smem:$0x3FB3] =	sst s5  }
0xe: {  	[smem:$0x3FB4] =	sst s6  }
0xf: {  	[smem:$0x3FB5] =	sst s7  }
0x10: {  	[smem:$0x3FB6] =	sst s8  }
0x11: {  	[smem:$0x3FB7] =	sst s9;
	s0 =	simm.s32 @!p0 $0x0  }
0x12: {  	s1 =	sld [smem:$0x3F9D];
	s0 =	simm.s32 @p0 $0x1  }
0x13: {  	[smem:$0x3FB8] =	sst s0;
	s0 =	simm.s32 @!p1 $0x0  }
0x14: {  	s2 =	sld [smem:$0x3F9C];
	s0 =	simm.s32 @p1 $0x1  }
0x15: {  	[smem:$0x3FB9] =	sst s0;
	s0 =	simm.s32 @!p2 $0x0  }
0x16: {  	s3 =	sld [smem:$0x3FDB];
	s0 =	simm.s32 @p2 $0x1  }
0x17: {  	s4 =	simm.s32 $0x1BF5;
	[smem:$0x3FBB] =	sst s0  }
0x18: {  	s0 =	sld [smem:$0x3F9E];
	_ =	swait.ge [sflag:s4], $0x0  }
0x19: {  	s7 =	sld [smem:$0x3F9F]  }
0x1a: {  	s8 =	sadd.s32 $0xFFFFE003, lr  }
0x1b: {  	s9 =	sadd.s32 $0xFFFFFEF7, lr;
	s5 =	simm.s32 $0xFFFFFFFF;
	p2 =	slt.u32 s8, $0xFFFFF086  }
0x1c: {  	p1 =	slt.u32 s9, $0xF7A;
	s5 =	simm.s32 @!p2 $0x0  }
0x1d: {  	s5 =	simm.s32 @p1 $0x1;
	p0 =	seq.s32 s7, s2  }
0x1e: {  	s7 =	smul.u32 @!p0 $0xF7A, s2;
	p2 =	seq.s32 @!p0 s5, $0x0  }
0x1f: {  	s9 =	smul.u32 $0xF7A, s1;
	s8 =	simm.s32 @!p0 $0x1BF5;
	p2 =	por !p2, p0  }
0x20: {  	[sflag:s8] =	ssyncset.s32 @!p0 $0xFFFFF086;
	s6 =	sadd.s32 @!p0 s3, s7;
	s7 =	simm.s32 @!p0 $0x108  }
0x21: {  	s3 =	sadd.s32 s3, s9;
	s6 =	sadd.s32 @!p0 $0x88, s6;
	s7 =	simm.s32 @p2 $0x1082  }
0x22: {  	[simem:s7], [sflag:s8] =	dma.local @!p0 [hbm:s6], $0xF7A  }
0x23: {  	s9 =	sor.u32 $0xD0000000, s2;
	s6 =	simm.s32 $0x108;
	_ =	swait.ge @!p0 [sflag:s8], $0x0  }
0x24: {  	s3 =	sadd.s32 $0x88, s3;
	s6 =	simm.s32 @!p1 $0x1082;
	[sflag:s4] =	ssyncset.s32 $0xFFFFF086  }
0x25: {  	[simem:s6], [sflag:s4] =	dma.local [hbm:s3], $0xF7A  }
0x26: {  	[smem:$0x3F9F] =	sst s1;
	(tag) =	ssettag s2;
	_ =	strace s9  }
0x27: {  	s1 =	sld [smem:$0x3FAF]  }
0x28: {  	s2 =	sld [smem:$0x3FB0]  }
0x29: {  	s4 =	sld [smem:$0x3FB2]  }
0x2a: {  	p0 =	seq.s32 s5, $0x0;
	s5 =	sld [smem:$0x3FB3]  }
0x2b: {  	s6 =	sld [smem:$0x3FB4]  }
0x2c: {  	s7 =	sld [smem:$0x3FB5]  }
0x2d: {  	s3 =	simm.s32 $0x108;
	s8 =	sld [smem:$0x3FB6]  }
0x2e: {  	s3 =	simm.s32 @!p0 $0x1082;
	s9 =	sld [smem:$0x3FB7]  }
0x2f: {  	lr =	sadd.s32 s0, s3;
	s0 =	sld [smem:$0x3FAE]  }
0x30: {  	s3 =	sld [smem:$0x3FB1]  }
0x31: {  	[smem:$0x3FBA] =	sst s10  }
0x32: {  	s10 =	sld [smem:$0x3FB8];
	_ =	sdelay $0x3  }
0x33: {  	p0 =	seq.s32 s10, $0x1;
	s10 =	sld [smem:$0x3FBA];
	_ =	sdelay $0x3  }
0x34: {  	[smem:$0x3FBA] =	sst s10  }
0x35: {  	s10 =	sld [smem:$0x3FB9];
	_ =	sdelay $0x3  }
0x36: {  	p1 =	seq.s32 s10, $0x1;
	s10 =	sld [smem:$0x3FBA];
	_ =	sdelay $0x3  }
0x37: {  	[smem:$0x3FBA] =	sst s10  }
0x38: {  	s10 =	sld [smem:$0x3FBB]  }
0x39: {  	_ = 	snop;
	(pc) =	sbr.ind lr, $3  }
0x3a: {  	_ = 	snop  }
0x3b: {  	_ = 	snop  }
0x3c: {  	p2 =	seq.s32 s10, $0x1;
	s10 =	sld [smem:$0x3FBA]  }
0x3d: {  	_ =	shalt  }
0x3e: {  	_ =	shalt  }
0x3f: {  	_ =	shalt  }
0x40: {  	_ =	shalt  }
0x41: {  	_ =	shalt  }
0x42: {  	_ =	shalt  }
0x43: {  	_ =	shalt  }
0x44: {  	_ =	shalt  }
0x45: {  	_ =	shalt  }
0x46: {  	_ =	shalt  }
0x47: {  	_ =	shalt  }
0x48: {  	_ =	shalt  }
0x49: {  	_ =	shalt  }
0x4a: {  	_ =	shalt  }
0x4b: {  	_ =	shalt  }
0x4c: {  	_ =	shalt  }
0x4d: {  	_ =	shalt  }
0x4e: {  	_ =	shalt  }
0x4f: {  	_ =	shalt  }
0x50: {  	_ =	shalt  }
0x51: {  	_ =	shalt  }
0x52: {  	_ =	shalt  }
0x53: {  	_ =	shalt  }
0x54: {  	_ =	shalt  }
0x55: {  	_ =	shalt  }
0x56: {  	_ =	shalt  }
0x57: {  	_ =	shalt  }
0x58: {  	_ =	shalt  }
0x59: {  	_ =	shalt  }
0x5a: {  	_ =	shalt  }
0x5b: {  	_ =	shalt  }
0x5c: {  	_ =	shalt  }
0x5d: {  	_ =	shalt  }
0x5e: {  	_ =	shalt  }
0x5f: {  	_ =	shalt  }
0x60: {  	_ =	shalt  }
0x61: {  	_ =	shalt  }
0x62: {  	_ =	shalt  }
0x63: {  	_ =	shalt  }
0x64: {  	_ =	shalt  }
0x65: {  	_ =	shalt  }
0x66: {  	_ =	shalt  }
0x67: {  	_ =	shalt  }
0x68: {  	_ =	shalt  }
0x69: {  	_ =	shalt  }
0x6a: {  	_ =	shalt  }
0x6b: {  	_ =	shalt  }
0x6c: {  	_ =	shalt  }
0x6d: {  	_ =	shalt  }
0x6e: {  	_ =	shalt  }
0x6f: {  	_ =	shalt  }
0x70: {  	_ =	shalt  }
0x71: {  	_ =	shalt  }
0x72: {  	_ =	shalt  }
0x73: {  	_ =	shalt  }
0x74: {  	_ =	shalt  }
0x75: {  	_ =	shalt  }
0x76: {  	_ =	shalt  }
0x77: {  	_ =	shalt  }
0x78: {  	_ =	shalt  }
0x79: {  	_ =	shalt  }
0x7a: {  	_ =	shalt  }
0x7b: {  	_ =	shalt  }
0x7c: {  	_ =	shalt  }
0x7d: {  	_ =	shalt  }
0x7e: {  	_ =	shalt  }
0x7f: {  	_ =	shalt  }
0x80: {  	_ =	shalt  }
0x81: {  	_ =	shalt  }
0x82: {  	_ =	shalt  }
0x83: {  	_ =	shalt  }
0x84: {  	_ =	shalt  }
0x85: {  	_ =	shalt  }
0x86: {  	_ =	shalt  }
0x87: {  	_ =	shalt  }
.Lfunc_end0:
.L_simem_size_0:
called_computation_lowered:
.L_overlay_start_0:
0x88: {  	s2 =	sld [smem:$0x3FD9]  }
0x89: {  	s3 =	sld [smem:$0x3FFE];
	_ =	sdelay $0x1  }
0x8a: {  	s1 =	srdreg.scid  }
0x8b: {  	s0 =	sand.u32 $0x1, s1  }
0x8c: {  	s17 =	sshll.u32 s0, $0xA;
	s2 =	sadd.s32 s3, s2  }
0x8d: {  	s2 =	sadd.s32 s2, s17  }
0x8e: {  	[smem:$0x3FC6] =	sst s2  }
0x8f: {  	_ = 	snop  }
0x90: {  	s2 =	sld [smem:$0x3FC9]  }
0x91: {  	s18 =	sld [smem:$0x3FC8]  }
0x92: {  	s4 =	sld [smem:$0x3FD0];
	(tm) =	ssettm $0x1  }
0x93: {  	s5 =	sld [smem:$0x3FFB];
	_ =	sdelay $0x3  }
0x94: {  	_ =	strace s5  }
0x95: {  	s5 =	sld [smem:$0x3FFC];
	_ =	sdelay $0x3  }
0x96: {  	_ =	strace s5  }
0x97: {  	s5 =	sld [smem:$0x3FFD];
	_ =	sdelay $0x3  }
0x98: {  	_ =	strace s5  }
0x99: {  	_ =	strace $0x8FFFFFFF  }
0x9a: {  	s19 =	sld [smem:$0x3FDB];
	_ =	sdelay $0x1  }
0x9b: {  	s6 =	simm.s32 $_scs_section_size  }
0x9c: {  	s7 =	simm.s32 $_size__tile_overlayer_lowered;
	s8 =	simm.s32 $_tile_overlayer_lowered  }
0x9d: {  	s22 =	simm.s32 $0x1BFF;
	s21 =	sshll.u32 s8, $0x1;
	s5 =	sadd.s32 s6, s19  }
0x9e: {  	s9 =	simm.s32 $0x0;
	s20 =	sshll.u32 s7, $0x1;
	s7 =	sadd.s32 s21, s5  }
0x9f: {  	[timem:s9], [sflag:s22] =	dma.local [hbm:s7], s20  }
0xa0: {  	_ =	swait.ge [sflag:s22], s20  }
0xa1: {  	s6 =	ssub.s32 $0x0, s20;
	[sflag:s22] =	ssyncset.done $0x0  }
0xa2: {  	[sflag:s22] =	ssyncadd.s32 s6;
	_ =	sdelay $0x1  }
0xa3: {  	s23 =	simm.s32 $0x1B8B  }
0xa4: {  	_ =	swait.ge [sflag:s23], $0x1  }
0xa5: {  	[sflag:s23] =	ssyncset.done $0x0  }
0xa6: {  	s25 =	simm.s32 $0x1B8E;
	s24 =	sld [smem:$0x3FFE];
	[sflag:s23] =	ssyncadd.s32 $0xFFFFFFFF  }
0xa7: {  	s26 =	simm.s32 $execute0_lowered;
	[smem:$0x3FD2] =	sst s25  }
0xa8: {  	s7 =	sshll.u32 s26, $0x1;
	_ =	strace $0x80000046;
	[dreg:$0x1] =	wrdreg $0xFFFFFFFF  }
0xa9: {  	s28 =	simm.s32 $_size_execute0_lowered;
	s5 =	sadd.s32 s5, s7;
	[dreg:$0x0] =	wrdreg $0x0  }
0xaa: {  	s7 =	sshll.u32 s28, $0x1;
	[dreg:$0x2] =	wrdreg s5  }
0xab: {  	[dreg:$0x3] =	wrdreg s7  }
0xac: {  	[dreg:$0x4] =	wrdreg $0xC0  }
0xad: {  	_ =	task [dreg:s9], $0x5FFFF  }
0xae: {  	[dreg:$0x1] =	wrdreg $0xFFFFFFFF  }
0xaf: {  	[dreg:$0x0] =	wrdreg $0x60  }
0xb0: {  	[dreg:$0x2] =	wrdreg s18  }
0xb1: {  	[dreg:$0x3] =	wrdreg s2  }
0xb2: {  	[dreg:$0x4] =	wrdreg s24  }
0xb3: {  	[dreg:$0x5] =	wrdreg s4  }
0xb4: {  	[dreg:$0x6] =	wrdreg $0x9  }
0xb5: {  	_ =	task.clear_ibuf [dreg:s9], $0x7FFFF;
	_ =	strace $0x90000046  }
0xb6: {  	s29 =	simm.s32 $0x9;
	_ =	strace $0x8000004D  }
0xb7: {  	_ =	swait.ge [sflag:s29], $0x1  }
0xb8: {  	[sflag:s29] =	ssyncadd.s32 $0xFFFFFFFF  }
0xb9: {  	_ =	strace $0x9000004D  }
0xba: {  	_ =	sfence  }
0xbb: {  	s30 =	sld [smem:$0x0];
	_ =	sdelay $0x2  }
0xbc: {  	s31 =	sshll.u32 s1, $0xD;
	s1 =	sshrl.u32 s1, $0x2  }
0xbd: {  	s3 =	sand.u32 $0x4000, s31;
	s1 =	sadd.s32 s1, s30  }
0xbe: {  	s0 =	sor.u32 s3, s0;
	s1 =	sshll.u32 s1, $0x11  }
0xbf: {  	s0 =	sor.u32 s1, s0  }
0xc0: {  	s0 =	sadd.s32 $0x8F2B, s0  }
0xc1: {  	[sflag:s0] =	ssyncadd.remote.s32 $0x1  }
0xc2: {  	_ =	sfence.sel $0xFFFF  }
0xc3: {  	[dreg:$0x0] =	wrdreg $0xFFFFFFFF;
	(pc) =	sbr.abs _section_cstart, $3  }
0xc4: {  	[dreg:$0x1] =	wrdreg $0xFFFFFFFF  }
0xc5: {  	_ =	task.clear_ibuf [dreg:s9], $0x2FFFF;
	_ =	strace $0x9FFFFFFF  }
0xc6: {  	(tm) =	ssettm $0x7FFFFFFF  }
0xc7: {  	_ =	shalt  }
tec
execute0_lowered:
.L_overlay_start_1:
0x0: {  	(tag) =	ssettag $0x1  }
0x1: {  	s1 =	rddreg [dreg:$0x0]  }
0x2: {  	s2 =	rddreg [dreg:$0x1]  }
0x3: {  	s5 =	rddreg [dreg:$0x2]  }
0x4: {  	s6 =	rddreg [dreg:$0x3]  }
0x5: {  	s7 =	srdreg.scid;
	s3 =	stileid.u32  }
0x6: {  	s4 =	simm.s32 $0x0;
	s13 =	simm.s32 $0x7400;
	s14 =	simm.s32 $0x9800  }
0x7: {  	s16 =	simm.s32 $0x80;
	s17 =	simm.s32 $0xBC00;
	s18 =	simm.s32 $0x2  }
0x8: {  	s19 =	simm.s32 $0x5180;
	s20 =	simm.s32 $0x0;
	s7 =	sand.u32 $0x1, s7  }
0x9: {  	s8 =	sshll.u32 s3, $0x1;
	[smem:$0x7FF] =	sst s4;
	s5 =	sadd.s32 $0x800, s5  }
0xa: {  	s10 =	smul.u32 $0x44C0, s3;
	s31 =	sshll.u32 s3, $0x8;
	s8 =	sor.u32 s7, s8  }
0xb: {  	_ =	strace $0x80000047;
	s9 =	ssub.s32 $0x2, s7;
	s15 =	smul.u32 $0x2260, s8  }
.Ltmp0:
0xc: {  	s12 =	sshll.u32 s7, $0x7;
	s29 =	sshrl.u32 s9, $0x1;
	(pc) =	sbr.rel .LBB2_1-.Ltmp0, $4  }
0xd: {  	s11 =	smul.u32 $0x2260, s7;
	s8 =	ssub.s32 s9, s29;
	s9 =	sor.u32 s12, s31  }
0xe: {  	s12 =	simm.s32 $0x4;
	s30 =	sshrl.u32 s15, $0x3;
	s7 =	smax.u32 s8, $0x1  }
0xf: {  	v1 =	vimm.s32 $0x40000000;
	vm0 =	vmxor vm0, vm0;
	s8 =	sadd.s32 s11, s10;
	s9 =	sadd.s32 $0x44C00, s9;
	s10 =	simm.s32 $0x3  }
0x10: {  	v2 =	vlaneseq.u32;
	v3 =	vimm.s32 $0x0;
	s11 =	simm.s32 $0x2F00;
	v0 =	vmov s15;
	s15 =	simm.s32 $0x1;
	s6 =	sadd.s32 s6, s30  }
.LBB2_30:
0x11: {  	_ =	strace $0x8000004B  }
0x12: {  	_ =	strace $0x9000004B  }
.LBB2_28:
0x13: {  	_ =	strace $0x8000004C;
	s20 =	sadd.s32 $0x1, s20  }
0x14: {  	[hbm4b:s6+s4] =	stream.linear.scatter [tilespmem:s19], [sflag:$0x4], $0x2260, $0x200038;
	[tilespmem:$0x1BC00] =	vst v63  }
0x15: {  	p0 =	sne.s32 s20, s7  }
.Ltmp1:
0x16: {  	_ = 	snop;
	(pc) =	sbr.rel @!p0 .LBB2_29-.Ltmp1, $4  }
0x17: {  	_ =	swait.ge [sflag:s12], $0x2260  }
0x18: {  	[sflag:s12] =	ssyncset.done $0x0  }
0x19: {  	[sflag:s12] =	ssyncadd.s32 $0xFFFFDDA0  }
0x1a: {  	_ =	strace $0x9000004C  }
.LBB2_1:
0x1b: {  	_ =	strace $0x80000048;
	s22 =	simm.s32 $0x140;
	s21 =	simm.s32 $0x0  }
.LBB2_2:
0x1c: {  	p0 =	sne.s32 s22, $0x8840;
	[tilespmem:s21+$0x2F40] =	vst v1;
	s23 =	smov.u32 s22;
	s22 =	sadd.s32 $0x140, s22  }
.Ltmp2:
0x1d: {  	[tilespmem:s21+$0x2F30] =	vst v1;
	(pc) =	sbr.rel @p0 .LBB2_2-.Ltmp2, $4  }
0x1e: {  	[tilespmem:s21+$0x2F20] =	vst v1  }
0x1f: {  	[tilespmem:s21+$0x2F00] =	vst v1  }
0x20: {  	[tilespmem:s21+$0x2F10] =	vst v1  }
0x21: {  	s21 =	sshra.s32 s23, $0x2  }
0x22: {  	[tilespmem:s21+$0x2F40] =	vst v1  }
0x23: {  	[tilespmem:s21+$0x2F30] =	vst v1  }
0x24: {  	[tilespmem:s21+$0x2F20] =	vst v1  }
0x25: {  	[tilespmem:s21+$0x2F00] =	vst v1  }
0x26: {  	[tilespmem:s21+$0x2F10] =	vst v1  }
0x27: {  	_ =	strace $0x90000048  }
0x28: {  	s21 =	simm.s32 $0x0;
	s22 =	simm.s32 $0x0;
	_ =	strace $0x80000049  }
0x29: {  	vm1 =	vmmov vm0;
	[tilespmem:s21], [sflag:$0x3] =	stream.linear.gather [hbm4b:s1+s21], $0x1770, $0x200038;
	[tilespmem:$0x1BC00] =	vst v63  }
.LBB2_5:
0x2a: {  	s23 =	smov.u32 s21  }
0x2b: {  	s21 =	sadd.s32 $0x1, s21;
	p0 =	seq.s32 s23, $0x9  }
0x2c: {  	s24 =	sand.u32 @!p0 $0x1, s21  }
0x2d: {  	p1 =	seq.s32 @!p0 s24, $0x1;
	s24 =	smul.u32 @!p0 $0x2EE, s21  }
0x2e: {  	s25 =	simm.s32 @!p0 $0x1770;
	p1 =	por !p1, p0  }
0x2f: {  	s26 =	simm.s32 @!p0 $0x0;
	s25 =	simm.s32 @p1 $0x0;
	s24 =	sadd.s32 @!p0 s1, s24  }
0x30: {  	[tilespmem:s25], [sflag:$0x3] =	stream.linear.gather @!p0 [hbm4b:s24+s26], $0x1770, $0x200038;
	[tilespmem:$0x1BC00] =	vst v63  }
0x31: {  	s23 =	sand.u32 $0x1, s23;
	_ =	swait.ge [sflag:s10], $0x1770  }
0x32: {  	p0 =	seq.s32 s23, $0x1;
	s23 =	simm.s32 $0x1790;
	[sflag:s10] =	ssyncset.done $0x0  }
0x33: {  	s24 =	simm.s32 $0x0;
	s23 =	simm.s32 @!p0 $0x20;
	[sflag:s10] =	ssyncadd.s32 $0xFFFFE890  }
.LBB2_6:
0x34: {  	v4 =	vld [tilespmem:s23+$0xFFFFFFE0];
	_ =	sdelay $0x4  }
0x35: {  	v4 =	vsub.s32 v4, v0  }
0x36: {  	vm2 =	vlt.u32 v4, $0x2260;
	_ =	sdelay $0x3  }
0x37: {  	s25 =	sadd.s32 s24, s22  }
0x38: {  	v5 =	vor.u32 s25, v2  }
0x39: {  	[tilespmem:v4+s11+$0x0] =	vst.idx.msk vm2, v5  }
0x3a: {  	v6 =	vld [tilespmem:s23+$0xFFFFFFF0];
	_ =	sdelay $0x4  }
0x3b: {  	v6 =	vsub.s32 v6, v0  }
0x3c: {  	vm3 =	vlt.u32 v6, $0x2260;
	_ =	sdelay $0x3  }
0x3d: {  	s26 =	sadd.s32 $0x10, s25  }
0x3e: {  	v7 =	vor.u32 s26, v2  }
0x3f: {  	v4 =	vld.idx.msk [tilespmem:v4+s11+$0x0], vm2;
	[tilespmem:v6+s11+$0x0] =	vst.idx.msk vm3, v7  }
0x40: {  	v8 =	vld [tilespmem:s23+$0x0];
	_ =	sdelay $0x4  }
0x41: {  	v8 =	vsub.s32 v8, v0  }
0x42: {  	vm4 =	vlt.u32 v8, $0x2260;
	_ =	sdelay $0x3  }
0x43: {  	s30 =	sadd.s32 $0x20, s25  }
0x44: {  	v9 =	vor.u32 s30, v2  }
0x45: {  	v6 =	vld.idx.msk [tilespmem:v6+s11+$0x0], vm3;
	[tilespmem:v8+s11+$0x0] =	vst.idx.msk vm4, v9  }
0x46: {  	v10 =	vld [tilespmem:s23+$0x10];
	_ =	sdelay $0x4  }
0x47: {  	v10 =	vsub.s32 v10, v0  }
0x48: {  	vm5 =	vlt.u32 v10, $0x2260;
	_ =	sdelay $0x3  }
0x49: {  	s31 =	sadd.s32 $0x30, s25  }
0x4a: {  	v11 =	vor.u32 s31, v2  }
0x4b: {  	v8 =	vld.idx.msk [tilespmem:v8+s11+$0x0], vm4;
	[tilespmem:v10+s11+$0x0] =	vst.idx.msk vm5, v11  }
0x4c: {  	v12 =	vld [tilespmem:s23+$0x20];
	_ =	sdelay $0x4  }
0x4d: {  	v12 =	vsub.s32 v12, v0  }
0x4e: {  	vm6 =	vlt.u32 v12, $0x2260;
	_ =	sdelay $0x3  }
0x4f: {  	s25 =	sadd.s32 $0x40, s25  }
0x50: {  	v13 =	vor.u32 s25, v2  }
0x51: {  	v10 =	vld.idx.msk [tilespmem:v10+s11+$0x0], vm5;
	[tilespmem:v12+s11+$0x0] =	vst.idx.msk vm6, v13  }
0x52: {  	v12 =	vld.idx.msk [tilespmem:v12+s11+$0x0], vm6;
	_ =	sdelay $0x1  }
0x53: {  	vm7 =	vlt.s32 v4, v5;
	vm8 =	vlt.s32 v6, v7  }
0x54: {  	p0 =	seq.s32 s24, $0x1720;
	vm2 =	vmand vm2, vm7;
	vm3 =	vmand vm3, vm8;
	vm13 =	vlt.s32 v8, v9  }
.Ltmp3:
0x55: {  	vm2 =	vmor vm2, vm3;
	vm3 =	vmand vm4, vm13;
	vm14 =	vlt.s32 v10, v11;
	(pc) =	sbr.rel @!p0 .LBB2_6-.Ltmp3, $4  }
0x56: {  	vm2 =	vmor vm2, vm3;
	vm3 =	vmand vm5, vm14;
	vm15 =	vlt.s32 v12, v13  }
0x57: {  	vm2 =	vmor vm2, vm3;
	vm3 =	vmand vm6, vm15  }
0x58: {  	vm2 =	vmor vm2, vm3  }
0x59: {  	s24 =	sadd.s32 $0x50, s24;
	s23 =	sadd.s32 $0x50, s23;
	vm1 =	vmor vm1, vm2  }
0x5a: {  	p0 =	seq.s32 s21, $0xA  }
.Ltmp4:
0x5b: {  	_ = 	snop;
	(pc) =	sbr.rel @!p0 .LBB2_5-.Ltmp4, $2  }
0x5c: {  	_ =	sdelay $0x2  }
0x5d: {  	s22 =	sadd.s32 $0x1770, s22  }
0x5e: {  	v4 =	vmpcnt.ones.xlane vm1;
	_ =	sdelay $0x1  }
0x5f: {  	_ =	strace $0x90000049;
	v4 =	vxor.u32 $0x80000000, v4  }
0x60: {  	(xrf0) =	vmax.scan.msk.u32 $0xffff, v4;
	_ =	sdelay $0x5  }
0x61: {  	v4, _, _ =	vpop (xrf0)  }
0x62: {  	(v2sf) =	vpush v4, $0xF;
	_ =	sdelay $0xe  }
0x63: {  	s21 =	spop (v2sf)  }
0x64: {  	p0 =	slt.u32 s21, $0x80000001  }
.Ltmp5:
0x65: {  	_ = 	snop;
	(pc) =	sbr.rel @p0 .LBB2_14-.Ltmp5, $1  }
0x66: {  	_ =	sdelay $0x3  }
.Ltmp6:
0x67: {  	(pc) =	sbr.rel .LBB2_9-.Ltmp6, $2  }
0x68: {  	_ =	sdelay $0x2  }
0x69: {  	s21 =	simm.s32 $0x0;
	s22 =	simm.s32 $0x0  }
.LBB2_13:
0x6a: {  	s22 =	sadd.s32 $0x1, s22  }
0x6b: {  	p0 =	sne.s32 s22, $0xA  }
.Ltmp7:
0x6c: {  	_ = 	snop;
	(pc) =	sbr.rel @!p0 .LBB2_14-.Ltmp7, $1  }
0x6d: {  	_ =	sdelay $0x3  }
.LBB2_9:
0x6e: {  	s23 =	smul.u32 $0x1770, s22;
	_ =	sdelay $0x1  }
0x6f: {  	s24 =	sshrl.u32 s23, $0x3  }
.Ltmp8:
0x70: {  	s24 =	sadd.s32 s1, s24;
	(pc) =	sbr.rel .LBB2_10-.Ltmp8, $4  }
0x71: {  	[tilespmem:s21], [sflag:$0x4] =	stream.linear.gather [hbm4b:s24+s21], $0x1770, $0x38;
	[tilespmem:$0x1BC00] =	vst v63  }
0x72: {  	_ =	swait.ge [sflag:s12], $0x1770  }
0x73: {  	[sflag:s12] =	ssyncset.done $0x0  }
0x74: {  	s24 =	simm.s32 $0x0;
	[sflag:s12] =	ssyncadd.s32 $0xFFFFE890  }
.LBB2_12:
0x75: {  	s24 =	sadd.s32 $0x1, s24  }
0x76: {  	p0 =	sne.s32 s24, $0x177  }
.Ltmp9:
0x77: {  	_ = 	snop;
	(pc) =	sbr.rel @!p0 .LBB2_13-.Ltmp9, $1  }
0x78: {  	_ =	sdelay $0x3  }
.LBB2_10:
0x79: {  	s25 =	sshll.u32 s24, $0x4  }
0x7a: {  	v4 =	vld [tilespmem:s25+$0x0];
	_ =	sdelay $0x4  }
0x7b: {  	v4 =	vsub.s32 v4, v0  }
0x7c: {  	vm1 =	vlt.u32 v4, $0x2260;
	_ =	sdelay $0x5  }
0x7d: {  	v6 =	vld.idx.msk [tilespmem:v4+s11+$0x0], vm1;
	_ =	sdelay $0x2  }
0x7e: {  	s25 =	sadd.s32 s23, s25  }
0x7f: {  	v5 =	vor.u32 s25, v2  }
0x80: {  	vm2 =	vlt.s32 v6, v5  }
0x81: {  	vm2 =	vmand vm1, vm2  }
0x82: {  	v6 =	vmpcnt.ones.xlane vm2;
	_ =	sdelay $0x1  }
0x83: {  	v6 =	vxor.u32 $0x80000000, v6  }
0x84: {  	(xrf0) =	vmax.scan.msk.u32 $0xffff, v6;
	_ =	sdelay $0x5  }
0x85: {  	v6, _, _ =	vpop (xrf0)  }
0x86: {  	(v2sf) =	vpush v6, $0xF;
	_ =	sdelay $0xe  }
0x87: {  	s31 =	spop (v2sf)  }
0x88: {  	p0 =	slt.u32 s31, $0x80000001  }
.Ltmp10:
0x89: {  	_ = 	snop;
	(pc) =	sbr.rel @p0 .LBB2_12-.Ltmp10, $1  }
0x8a: {  	_ =	sdelay $0x3  }
.LBB2_11:
0x8b: {  	[tilespmem:v4+s11+$0x0] =	vst.idx.msk vm2, v5  }
0x8c: {  	v6 =	vld.idx.msk [tilespmem:v4+s11+$0x0], vm1;
	_ =	sdelay $0x4  }
0x8d: {  	vm2 =	vlt.s32 v6, v5  }
0x8e: {  	vm2 =	vmand vm1, vm2  }
0x8f: {  	v6 =	vmpcnt.ones.xlane vm2;
	_ =	sdelay $0x1  }
0x90: {  	v6 =	vxor.u32 $0x80000000, v6  }
0x91: {  	(xrf0) =	vmax.scan.msk.u32 $0xffff, v6;
	_ =	sdelay $0x5  }
0x92: {  	v6, _, _ =	vpop (xrf0)  }
0x93: {  	(v2sf) =	vpush v6, $0xF;
	_ =	sdelay $0xe  }
0x94: {  	s25 =	spop (v2sf)  }
0x95: {  	p0 =	sgt.u32 s25, $0x80000000  }
.Ltmp11:
0x96: {  	_ = 	snop;
	(pc) =	sbr.rel @p0 .LBB2_11-.Ltmp11, $1  }
0x97: {  	_ =	sdelay $0x3  }
.Ltmp12:
0x98: {  	_ = 	snop;
	(pc) =	sbr.rel .LBB2_12-.Ltmp12, $1  }
0x99: {  	_ =	sdelay $0x3  }
.LBB2_14:
0x9a: {  	_ =	strace $0x8000004A  }
0x9b: {  	v4 =	vimm.s32 $0x0;
	s21 =	simm.s32 $0x0;
	s22 =	simm.s32 $0x51A0;
	s23 =	simm.s32 $0x2F20  }
.LBB2_15:
0x9c: {  	v5 =	vld [tilespmem:s23+$0xFFFFFFE0];
	_ =	sdelay $0x4  }
0x9d: {  	vm1 =	vlt.s32 v5, $0xEA60  }
0x9e: {  	v6 =	vsel vm1, $0x1, v3  }
0x9f: {  	(xrf0) =	vadd.scan.msk.s32 $0xffff, v6;
	_ =	sdelay $0x5  }
0xa0: {  	v7, _, _ =	vpop (xrf0)  }
0xa1: {  	v7 =	vadd.s32 v7, v4  }
0xa2: {  	v7 =	vadd.s32 $0xFFFFFFFF, v7;
	_ =	sdelay $0x2  }
0xa3: {  	s24 =	sadd.s32 s21, s8  }
0xa4: {  	[tilespmem:s22+$0xFFFFFFE0] =	vst v6;
	v6 =	vor.u32 s24, v2  }
0xa5: {  	[tilespmem:v7+s13+$0x0] =	vst.idx.msk vm1, v6  }
0xa6: {  	[tilespmem:v7+s14+$0x0] =	vst.idx.msk vm1, v5  }
0xa7: {  	v5 =	vld [tilespmem:s23+$0xFFFFFFF0];
	_ =	sdelay $0x4  }
0xa8: {  	vm2 =	vlt.s32 v5, $0xEA60  }
0xa9: {  	v6 =	vsel vm2, $0x1, v3  }
0xaa: {  	(xrf0) =	vadd.scan.msk.s32 $0xffff, v6;
	_ =	sdelay $0x1  }
0xab: {  	v7 =	vmpcnt.ones.xlane vm1;
	_ =	sdelay $0x3  }
0xac: {  	v4 =	vadd.s32 v4, v7;
	v7, _, _ =	vpop (xrf0)  }
0xad: {  	v7 =	vadd.s32 v7, v4  }
0xae: {  	v7 =	vadd.s32 $0xFFFFFFFF, v7;
	_ =	sdelay $0x2  }
0xaf: {  	s25 =	sadd.s32 $0x10, s24  }
0xb0: {  	[tilespmem:s22+$0xFFFFFFF0] =	vst v6;
	v6 =	vor.u32 s25, v2  }
0xb1: {  	[tilespmem:v7+s13+$0x0] =	vst.idx.msk vm2, v6  }
0xb2: {  	[tilespmem:v7+s14+$0x0] =	vst.idx.msk vm2, v5  }
0xb3: {  	v5 =	vld [tilespmem:s23+$0x0];
	_ =	sdelay $0x4  }
0xb4: {  	vm1 =	vlt.s32 v5, $0xEA60  }
0xb5: {  	v6 =	vsel vm1, $0x1, v3  }
0xb6: {  	(xrf0) =	vadd.scan.msk.s32 $0xffff, v6;
	_ =	sdelay $0x1  }
0xb7: {  	v7 =	vmpcnt.ones.xlane vm2;
	_ =	sdelay $0x3  }
0xb8: {  	v4 =	vadd.s32 v4, v7;
	v7, _, _ =	vpop (xrf0)  }
0xb9: {  	v7 =	vadd.s32 v7, v4  }
0xba: {  	v7 =	vadd.s32 $0xFFFFFFFF, v7;
	_ =	sdelay $0x2  }
0xbb: {  	s30 =	sadd.s32 $0x20, s24  }
0xbc: {  	[tilespmem:s22+$0x0] =	vst v6;
	v6 =	vor.u32 s30, v2  }
0xbd: {  	[tilespmem:v7+s13+$0x0] =	vst.idx.msk vm1, v6  }
0xbe: {  	[tilespmem:v7+s14+$0x0] =	vst.idx.msk vm1, v5  }
0xbf: {  	v5 =	vld [tilespmem:s23+$0x10];
	_ =	sdelay $0x4  }
0xc0: {  	vm2 =	vlt.s32 v5, $0xEA60  }
0xc1: {  	v6 =	vsel vm2, $0x1, v3  }
0xc2: {  	(xrf0) =	vadd.scan.msk.s32 $0xffff, v6;
	_ =	sdelay $0x1  }
0xc3: {  	v7 =	vmpcnt.ones.xlane vm1;
	_ =	sdelay $0x3  }
0xc4: {  	v4 =	vadd.s32 v4, v7;
	v7, _, _ =	vpop (xrf0)  }
0xc5: {  	v7 =	vadd.s32 v7, v4  }
0xc6: {  	v7 =	vadd.s32 $0xFFFFFFFF, v7;
	_ =	sdelay $0x2  }
0xc7: {  	s31 =	sadd.s32 $0x30, s24  }
0xc8: {  	[tilespmem:s22+$0x10] =	vst v6;
	v6 =	vor.u32 s31, v2  }
0xc9: {  	[tilespmem:v7+s13+$0x0] =	vst.idx.msk vm2, v6  }
0xca: {  	[tilespmem:v7+s14+$0x0] =	vst.idx.msk vm2, v5  }
0xcb: {  	v5 =	vld [tilespmem:s23+$0x20];
	_ =	sdelay $0x4  }
0xcc: {  	vm1 =	vlt.s32 v5, $0xEA60  }
0xcd: {  	v6 =	vsel vm1, $0x1, v3  }
0xce: {  	(xrf0) =	vadd.scan.msk.s32 $0xffff, v6;
	_ =	sdelay $0x1  }
0xcf: {  	v7 =	vmpcnt.ones.xlane vm2;
	_ =	sdelay $0x3  }
0xd0: {  	v4 =	vadd.s32 v4, v7;
	v7, _, _ =	vpop (xrf0)  }
0xd1: {  	v7 =	vadd.s32 v7, v4  }
0xd2: {  	v7 =	vadd.s32 $0xFFFFFFFF, v7  }
0xd3: {  	p0 =	sne.s32 s21, $0x2210  }
.Ltmp13:
0xd4: {  	_ = 	snop;
	(pc) =	sbr.rel @p0 .LBB2_15-.Ltmp13, $4  }
0xd5: {  	s24 =	sadd.s32 $0x40, s24  }
0xd6: {  	v8 =	vmpcnt.ones.xlane vm1;
	[tilespmem:s22+$0x20] =	vst v6;
	v6 =	vor.u32 s24, v2  }
0xd7: {  	[tilespmem:v7+s13+$0x0] =	vst.idx.msk vm1, v6  }
0xd8: {  	s21 =	sadd.s32 $0x50, s21;
	s23 =	sadd.s32 $0x50, s23;
	s22 =	sadd.s32 $0x50, s22;
	v4 =	vadd.s32 v4, v8;
	[tilespmem:v7+s14+$0x0] =	vst.idx.msk vm1, v5  }
0xd9: {  	_ =	strace $0x9000004A;
	v4 =	vxor.u32 $0x80000000, v4  }
0xda: {  	(xrf0) =	vmax.scan.msk.u32 $0xffff, v4;
	_ =	sdelay $0x5  }
0xdb: {  	v4, _, _ =	vpop (xrf0)  }
0xdc: {  	(v2sf) =	vpush v4, $0xF;
	_ =	sdelay $0xe  }
0xdd: {  	s21 =	spop (v2sf)  }
0xde: {  	s22 =	sxor.u32 $0x80000000, s21  }
0xdf: {  	s23 =	sadd.s32 $0x0, s22  }
0xe0: {  	v4 =	vadd.s32 s23, v2;
	_ =	sdelay $0x2  }
0xe1: {  	s24 =	sadd.s32 $0x0, s9  }
0xe2: {  	v5 =	vor.u32 s24, v2;
	s23 =	simm.s32 $0x10  }
.LBB2_17:
0xe3: {  	s24 =	sadd.s32 s23, s22;
	[tilespmem:v4+s13+$0x0] =	vst.idx.msk $0xffff, v5;
	s25 =	smov.u32 s23;
	p0 =	sne.s32 s23, $0x70  }
.Ltmp14:
0xe4: {  	s23 =	sadd.s32 $0x10, s23;
	[tilespmem:v4+s14+$0x0] =	vst.idx.msk $0xffff, v3;
	v4 =	vadd.s32 s24, v2;
	(pc) =	sbr.rel @p0 .LBB2_17-.Ltmp14, $3  }
0xe5: {  	_ =	sdelay $0x1  }
0xe6: {  	s24 =	sadd.s32 s25, s9  }
0xe7: {  	v5 =	vor.u32 s24, v2  }
0xe8: {  	s21 =	sadd.s32 $0x8000007F, s21  }
0xe9: {  	s22 =	sand.u32 $0x7F, s21  }
0xea: {  	s31 =	sshra.s32 s21, $0x1F;
	p1 =	slt.s32 s21, $0x1;
	p0 =	sne.s32 s22, $0x0  }
0xeb: {  	s22 =	sshrl.u32 s31, $0x19;
	p0 =	por !p1, !p0  }
0xec: {  	s21 =	sadd.s32 s22, s21;
	s22 =	simm.s32 $0x1;
	p0 =	por !p0, !p0  }
0xed: {  	s23 =	sshra.s32 s21, $0x7;
	s22 =	simm.s32 @!p0 $0x0  }
0xee: {  	s22 =	ssub.s32 s23, s22  }
0xef: {  	p1 =	slt.s32 s22, $0x1  }
.Ltmp15:
0xf0: {  	_ = 	snop;
	(pc) =	sbr.rel @p1 .LBB2_30-.Ltmp15, $3  }
0xf1: {  	_ =	sdelay $0x1  }
0xf2: {  	[tilespmem:v4+s13+$0x0] =	vst.idx.msk $0xffff, v5  }
0xf3: {  	[tilespmem:v4+s14+$0x0] =	vst.idx.msk $0xffff, v3  }
0xf4: {  	p1 =	slt.s32 s22, $0x2;
	s21 =	smov.u32 s22  }
0xf5: {  	s21 =	simm.s32 @!p1 $0x2  }
0xf6: {  	p1 =	seq.s32 s21, $0x1  }
.Ltmp16:
0xf7: {  	_ = 	snop;
	(pc) =	sbr.rel @p1 .LBB2_21-.Ltmp16, $4  }
0xf8: {  	_ = 	snop  }
0xf9: {  	s25 =	simm.s32 $0x9800;
	s26 =	simm.s32 $0xBC00;
	s24 =	simm.s32 $0xFFFFFFFF  }
0xfa: {  	[tilespmem:s26], [sflag:$0x1] =	stream.indirect.gather [hbm4b:s2+s16], $0x80, s25, s16, $0xb8;
	[tilespmem:$0x1BC00] =	vst v63  }
0xfb: {  	s24 =	simm.s32 @!p0 $0x0;
	s28 =	sadd.s32 $0xFFFFFFFF, s21  }
.LBB2_20:
0xfc: {  	p0 =	seq.s32 s28, $0x1  }
.Ltmp17:
0xfd: {  	_ = 	snop;
	(pc) =	sbr.rel @!p0 .LBB2_20-.Ltmp17, $4  }
0xfe: {  	_ = 	snop  }
0xff: {  	s25 =	sadd.s32 $0x80, s25;
	s26 =	sadd.s32 $0x4000, s26  }
0x100: {  	s28 =	sadd.s32 $0xFFFFFFFF, s28  }
0x101: {  	[tilespmem:s26], [sflag:$0x1] =	stream.indirect.gather [hbm4b:s2+s16], $0x80, s25, s16, $0xb8;
	[tilespmem:$0x1BC00] =	vst v63  }
.LBB2_21:
0x102: {  	_ =	strace $0x8000004B;
	p0 =	slt.u32 s22, $0x3  }
0x103: {  	s25 =	simm.s32 @!p0 $0x80;
	s26 =	simm.s32 @!p0 $0x9900;
	s28 =	simm.s32 @!p0 $0x13C00  }
0x104: {  	[tilespmem:s28], [sflag:$0x1] =	stream.indirect.gather @!p0 [hbm4b:s2+s25], $0x80, s26, s25, $0x2000b8;
	[tilespmem:$0x1BC00] =	vst v63  }
0x105: {  	p0 =	seq.s32 s22, $0x1;
	_ =	swait.ge [sflag:s15], $0x4000  }
0x106: {  	p1 =	slt.u32 @!p0 s22, $0x4;
	[sflag:s15] =	ssyncset.done $0x0  }
0x107: {  	p1 =	por p1, p0;
	[sflag:s15] =	ssyncadd.s32 $0xFFFFC000  }
0x108: {  	[hbm4b:s5+s16] =	stream.indirect.scatter [tilespmem:s17], [sflag:$0x2], $0x80, s13, s16, $0x2000b8;
	[tilespmem:$0x1BC00] =	vst v63  }
0x109: {  	s25 =	simm.s32 @!p1 $0x80;
	s26 =	simm.s32 @!p1 $0x9980;
	s28 =	simm.s32 @!p1 $0x17C00  }
0x10a: {  	[tilespmem:s28], [sflag:$0x1] =	stream.indirect.gather @!p1 [hbm4b:s2+s25], $0x80, s26, s25, $0x2000b8;
	[tilespmem:$0x1BC00] =	vst v63  }
0x10b: {  	s25 =	simm.s32 @!p0 $0x1  }
0x10c: {  	_ =	swait.ge @!p0 [sflag:s25], $0x4000  }
0x10d: {  	s26 =	simm.s32 @!p0 $0x7480;
	s28 =	simm.s32 @!p0 $0xFC00;
	[sflag:s25] =	ssyncset.done @!p0 $0x0  }
0x10e: {  	p1 =	seq.s32 @!p0 s22, $0x2;
	[sflag:s25] =	ssyncadd.s32 @!p0 $0xFFFFC000;
	s25 =	simm.s32 @!p0 $0x80  }
0x10f: {  	[hbm4b:s5+s25] =	stream.indirect.scatter @!p0 [tilespmem:s28], [sflag:$0x2], $0x80, s26, s25, $0x2000b8;
	[tilespmem:$0x1BC00] =	vst v63  }
0x110: {  	p0 =	por p0, p1  }
.Ltmp18:
0x111: {  	_ = 	snop;
	(pc) =	sbr.rel @p0 .LBB2_25-.Ltmp18, $1  }
0x112: {  	_ =	sdelay $0x3  }
0x113: {  	s23 =	sadd.s32 s24, s23;
	s24 =	simm.s32 $0x7500  }
0x114: {  	s26 =	simm.s32 $0x40000;
	s28 =	simm.s32 $0x9A00;
	s25 =	simm.s32 $0x1  }
0x115: {  	p1 =	sle.s32 s22, $0x4;
	_ =	swait.ge [sflag:s18], $0x4000;
	s29 =	simm.s32 $0x20000  }
0x116: {  	s23 =	sadd.s32 $0xFFFFFFFE, s23;
	s26 =	sand.u32 @!p1 $0x30000, s26;
	[sflag:s18] =	ssyncset.done $0x0  }
0x117: {  	s30 =	simm.s32 @!p1 $0x80;
	p0 =	sne.s32 s23, $0x1;
	s26 =	sshrl.u32 @!p1 s26, $0x2  }
.Ltmp19:
0x118: {  	[sflag:s18] =	ssyncadd.s32 $0xFFFFC000;
	s26 =	sadd.s32 @!p1 $0xBC00, s26;
	(pc) =	sbr.rel @!p0 .LBB2_24-.Ltmp19, $4  }
0x119: {  	[tilespmem:s26], [sflag:$0x1] =	stream.indirect.gather @!p1 [hbm4b:s2+s30], $0x80, s28, s30, $0x2000b8;
	[tilespmem:$0x1BC00] =	vst v63  }
0x11a: {  	s28 =	sand.u32 $0x30000, s29;
	s26 =	simm.s32 $0x9A80;
	_ =	swait.ge [sflag:s15], $0x4000  }
0x11b: {  	s29 =	sshrl.u32 s28, $0x2;
	s28 =	simm.s32 $0x50000;
	[sflag:s15] =	ssyncset.done $0x0  }
0x11c: {  	s30 =	sadd.s32 $0xBC00, s29;
	s29 =	simm.s32 $0x7580;
	[sflag:s15] =	ssyncadd.s32 $0xFFFFC000  }
.LBB2_23:
0x11d: {  	[hbm4b:s5+s16] =	stream.indirect.scatter [tilespmem:s30], [sflag:$0x2], $0x80, s24, s16, $0x2000b8;
	[tilespmem:$0x1BC00] =	vst v63  }
0x11e: {  	s30 =	sadd.s32 $0x4, s25;
	s25 =	sadd.s32 $0x1, s25;
	s24 =	smov.u32 s29  }
0x11f: {  	p1 =	sge.s32 s30, s22;
	p0 =	sne.s32 s23, s25  }
0x120: {  	s31 =	sadd.s32 $0xFFFE0000, s28;
	s30 =	sand.u32 @!p1 $0x30000, s28;
	_ =	swait.ge [sflag:s18], $0x4000  }
0x121: {  	s0 =	simm.s32 @!p1 $0x80;
	s30 =	sshrl.u32 @!p1 s30, $0x2;
	[sflag:s18] =	ssyncset.done $0x0  }
.Ltmp20:
0x122: {  	s30 =	sadd.s32 @!p1 $0xBC00, s30;
	[sflag:s18] =	ssyncadd.s32 $0xFFFFC000;
	(pc) =	sbr.rel @p0 .LBB2_23-.Ltmp20, $4  }
0x123: {  	[tilespmem:s30], [sflag:$0x1] =	stream.indirect.gather @!p1 [hbm4b:s2+s0], $0x80, s26, s0, $0x2000b8;
	[tilespmem:$0x1BC00] =	vst v63  }
0x124: {  	s0 =	sand.u32 $0x30000, s31;
	s26 =	sadd.s32 $0x80, s26;
	_ =	swait.ge [sflag:s15], $0x4000  }
0x125: {  	s28 =	sadd.s32 $0x10000, s28;
	s0 =	sshrl.u32 s0, $0x2;
	[sflag:s15] =	ssyncset.done $0x0  }
0x126: {  	s29 =	sadd.s32 $0x80, s29;
	s30 =	sadd.s32 $0xBC00, s0;
	[sflag:s15] =	ssyncadd.s32 $0xFFFFC000  }
.LBB2_24:
0x127: {  	[hbm4b:s5+s16] =	stream.indirect.scatter [tilespmem:s30], [sflag:$0x2], $0x80, s24, s16, $0x2000b8;
	[tilespmem:$0x1BC00] =	vst v63  }
.LBB2_25:
0x128: {  	p0 =	sne.s32 s21, $0x1  }
.Ltmp21:
0x129: {  	_ = 	snop;
	(pc) =	sbr.rel @!p0 .LBB2_27-.Ltmp21, $4  }
0x12a: {  	_ = 	snop  }
0x12b: {  	_ =	strace $0x9000004B  }
0x12c: {  	_ =	swait.ge [sflag:s18], $0x4000  }
0x12d: {  	s21 =	sadd.s32 $0xFFFFFFFF, s21;
	[sflag:s18] =	ssyncset.done $0x0  }
.LBB2_26:
0x12e: {  	p0 =	sne.s32 s21, $0x1;
	s21 =	sadd.s32 $0xFFFFFFFF, s21;
	[sflag:s18] =	ssyncadd.s32 $0xFFFFC000  }
.Ltmp22:
0x12f: {  	(pc) =	sbr.rel @p0 .LBB2_26-.Ltmp22, $3  }
0x130: {  	_ =	sdelay $0x1  }
0x131: {  	_ =	swait.ge [sflag:s18], $0x4000  }
0x132: {  	[sflag:s18] =	ssyncset.done $0x0  }
.LBB2_27:
.Ltmp23:
0x133: {  	(pc) =	sbr.rel .LBB2_28-.Ltmp23, $2  }
0x134: {  	_ =	sdelay $0x2  }
0x135: {  	[sflag:s18] =	ssyncadd.s32 $0xFFFFC000  }
.LBB2_29:
0x136: {  	_ =	sfence.sel $0x180000  }
0x137: {  	[bflag:$0x0] =	sbarrier.arrive $0xFFFF  }
0x138: {  	_ =	strace $0x90000047  }
0x139: {  	[bflag:$0x2] =	sbarrier.arrive $0xFFFF  }
0x13a: {  	p0 =	sne.s32 s3, $0x0;
	s0 =	rddreg [dreg:$0x4]  }
0x13b: {  	s0 =	sadd.s32 @!p0 $0x100000, s0  }
0x13c: {  	[sflag:s0] =	ssyncadd.tile.s32 @!p0 $0x1;
	_ =	shalt  }
.Lfunc_end2:
_tile_overlayer_lowered:
.L_overlay_start_2:
0x13d: {  	(tag) =	ssettag $0x2  }
0x13e: {  	s0 =	rddreg [dreg:$0x0];
	s2 =	stileid.u32  }
0x13f: {  	s1 =	rddreg [dreg:$0x1];
	p0 =	sne.s32 s2, $0x0  }
0x140: {  	s3 =	rddreg [dreg:$0x2];
	[bflag:$0x3] =	sbarrier.arrive $0xFFFF;
	s2 =	simm.s32 @!p0 $0x1C04  }
0x141: {  	[timem:s3], [sflag:s2] =	dma.local @!p0 [hbm:s0], s1  }
0x142: {  	s0 =	simm.s32 @!p0 $0x4  }
0x143: {  	_ =	swait.ge @!p0 [sflag:s0], s1  }
0x144: {  	s1 =	ssub.s32 @!p0 $0x0, s1;
	[sflag:s0] =	ssyncset.done @!p0 $0x0  }
0x145: {  	[sflag:s0] =	ssyncadd.s32 @!p0 s1  }
0x146: {  	[bflag:$0x3] =	sbarrier.arrive $0xFFFF  }
0x147: {  	_ =	shalt  }

</sc_bundles>
